<compile_context>
chip_gen: v7x
topology: tpu7x:2x2x1
jax: 0.10.2.dev20260603
libtpu: 0.0.44.dev20260713+nightly
codegen_flags: <defaults>
</compile_context>

<pallas_src>
import jax
import jax.numpy as jnp
from jax import lax
from jax.experimental import pallas as pl
from jax.experimental.pallas import tpu as pltpu
from jax.experimental.pallas import tpu_sc as plsc

_NC = 2
_NS = 16
_L = 16
_NW = _NC * _NS

_N = 16384
_C = 16
_RPW = _N // _NW
_BLOCKS = _RPW // _L
_BIG = 1 << 20


def _body(x_hbm, keys_hbm, values_hbm, out_hbm, kv_v, vv_v, t_v, x_v, o_v,
          sem_k, sem_v, sem_x, sem_x2, sem_o):
    cid = lax.axis_index("c")
    sid = lax.axis_index("s")
    wid = sid * _NC + cid
    base = wid * _RPW
    halfw = _RPW * _C // 2

    x_cp = pltpu.async_copy(x_hbm.at[pl.ds(base * _C, halfw)],
                            x_v.at[pl.ds(0, halfw)], sem_x)
    x2_cp = pltpu.async_copy(x_hbm.at[pl.ds(base * _C + halfw, halfw)],
                             x_v.at[pl.ds(halfw, halfw)], sem_x2)
    k_cp = pltpu.async_copy(keys_hbm, kv_v, sem_k)
    v_cp = pltpu.async_copy(values_hbm, vv_v, sem_v)
    k_cp.wait()
    v_cp.wait()

    lane = lax.iota(jnp.int32, _L)

    kvec = kv_v[...]
    pos = jnp.where(kvec[0] < lane, 1, 0).astype(jnp.int32)
    for k in range(1, _C):
        pos = pos + jnp.where(kvec[k] < lane, 1, 0).astype(jnp.int32)
    pos_c = jnp.minimum(pos, _C - 1)
    key_at = plsc.load_gather(kv_v, [pos_c])
    val_at = plsc.load_gather(vv_v, [pos_c])
    t_v[...] = jnp.where(key_at == lane, val_at, jnp.float32(-1.0))

    cols = [jnp.bitwise_and(lane + j, _C - 1) for j in range(_C)]
    row0 = lane * _C

    def _blk(b):
        addr0 = b * (_L * _C) + row0
        vs = [plsc.load_gather(x_v, [addr0 + cols[j]]) for j in range(_C)]
        m = vs
        while len(m) > 1:
            m = [jnp.maximum(m[i], m[i + 1]) for i in range(0, len(m), 2)]
        mx = m[0]
        bi = jnp.where(vs[0] == mx, cols[0], _BIG)
        for j in range(1, _C):
            bi = jnp.minimum(bi, jnp.where(vs[j] == mx, cols[j], _BIG))
        res = plsc.load_gather(t_v, [bi])
        o_v[pl.ds(b * _L, _L)] = res

    x_cp.wait()
    plsc.parallel_loop(0, _BLOCKS // 2, unroll=2)(_blk)
    o_cp = pltpu.async_copy(o_v.at[pl.ds(0, _RPW // 2)],
                            out_hbm.at[pl.ds(base, _RPW // 2)], sem_o)
    x2_cp.wait()
    plsc.parallel_loop(_BLOCKS // 2, _BLOCKS, unroll=2)(_blk)
    o_cp.wait()
    pltpu.sync_copy(o_v.at[pl.ds(_RPW // 2, _RPW // 2)],
                    out_hbm.at[pl.ds(base + _RPW // 2, _RPW // 2)])


@jax.jit
def _run(x_flat, keys_i32, values):
    return pl.kernel(
        _body,
        out_type=jax.ShapeDtypeStruct((_N,), jnp.float32),
        mesh=plsc.VectorSubcoreMesh(core_axis_name="c", subcore_axis_name="s"),
        compiler_params=pltpu.CompilerParams(needs_layout_passes=False),
        scratch_types=[
            pltpu.VMEM((_C,), jnp.int32),
            pltpu.VMEM((_C,), jnp.float32),
            pltpu.VMEM((_C,), jnp.float32),
            pltpu.VMEM((_RPW * _C,), jnp.float32),
            pltpu.VMEM((_RPW,), jnp.float32),
            pltpu.SemaphoreType.DMA,
            pltpu.SemaphoreType.DMA,
            pltpu.SemaphoreType.DMA,
            pltpu.SemaphoreType.DMA,
            pltpu.SemaphoreType.DMA,
        ],
    )(x_flat, keys_i32, values)


def kernel(tensor_input, keys, values):
    x_flat = jnp.reshape(tensor_input, (-1,))
    return _run(x_flat, keys.astype(jnp.int32), values)

# --- scband reference (transcript-rebuilt; emitter-appended) ---
"""Pipeline reference for scband-label-converter-18648747999268 (READ-ONLY COPY).

The authoritative reference and input builder live on the scoring server;
editing this copy changes nothing except your own understanding.
"""

import jax, jax.numpy as jnp
import numpy as np

_DATA_DICT = {i: float(i + 10) for i in range(16)}


def setup_inputs(seed: int = 0) -> dict:
    key = jax.random.key(seed)
    tensor_input = jax.random.normal(key, (16384, 16), dtype=jnp.float32)
    keys = jnp.array(sorted(_DATA_DICT.keys()), dtype=jnp.int64)
    values = jnp.array([_DATA_DICT[int(k)] for k in sorted(_DATA_DICT.keys())], dtype=jnp.float32)
    return {"tensor_input": tensor_input, "keys": keys, "values": values}


def reference(tensor_input, keys, values):
    # tf.argmax(tensor_input, axis=1) -> int indices
    out = jnp.argmax(tensor_input, axis=1)
    # StaticHashTable.lookup with default -1: binary search over sorted keys
    pos = jnp.searchsorted(keys, out)
    pos_c = jnp.clip(pos, 0, keys.shape[0] - 1)
    found = keys[pos_c] == out
    categories = jnp.where(found, jnp.take(values, pos_c, axis=0), jnp.float32(-1.0))
    return categories

if __name__ == "__main__":
    import jax
    _d = setup_inputs()
    print(jax.jit(kernel)(*tuple(_d.values())))

</pallas_src>

<mosaic_0001>
#map = affine_map<(d0, d1) -> (0)>
module attributes {stable_mosaic.version = 14 : i64} {
  func.func @_body(%arg0: i32, %arg1: i32, %arg2: memref<262144xf32, #tpu.memory_space<hbm>>, %arg3: memref<16xi32, #tpu.memory_space<hbm>>, %arg4: memref<16xf32, #tpu.memory_space<hbm>>, %arg5: memref<16384xf32, #tpu.memory_space<hbm>>, %arg6: memref<16xi32, #tpu.memory_space<vmem>>, %arg7: memref<16xf32, #tpu.memory_space<vmem>>, %arg8: memref<16xf32, #tpu.memory_space<vmem>>, %arg9: memref<8192xf32, #tpu.memory_space<vmem>>, %arg10: memref<512xf32, #tpu.memory_space<vmem>>, %arg11: memref<!tpu.dma_semaphore, #tpu.memory_space<semaphore_mem>>, %arg12: memref<!tpu.dma_semaphore, #tpu.memory_space<semaphore_mem>>, %arg13: memref<!tpu.dma_semaphore, #tpu.memory_space<semaphore_mem>>, %arg14: memref<!tpu.dma_semaphore, #tpu.memory_space<semaphore_mem>>, %arg15: memref<!tpu.dma_semaphore, #tpu.memory_space<semaphore_mem>>) attributes {dimension_semantics = [#tpu.dimension_semantics<core_parallel>, #tpu.dimension_semantics<subcore_parallel>], iteration_bounds = array<i64: 2, 16>, scalar_prefetch = 0 : i64, scratch_operands = 10 : i64, tpu.core_type = #tpu.core_type<sc_vector_subcore>, window_params = [{transform_indices = #map}, {transform_indices = #map}, {transform_indices = #map}, {transform_indices = #map}]} {
    %mul3A = arith.constant 2 : i32
    %mul3A_0 = arith.muli %arg1, %mul3A : i32
    %add3A = arith.addi %mul3A_0, %arg0 : i32
    %mul3A_1 = arith.constant 512 : i32
    %mul3A_2 = arith.muli %add3A, %mul3A_1 : i32
    %mul3A_3 = arith.constant 16 : i32
    %mul3A_4 = arith.muli %mul3A_2, %mul3A_3 : i32
    %dma_start3A = arith.constant 0 : i32
    %dma_start3A_5 = tpu.memref_slice %arg9[%dma_start3A] : memref<8192xf32, #tpu.memory_space<vmem>> -> memref<4096xf32, #tpu.memory_space<vmem>>
    %dma_start3A_6 = tpu.memref_slice %arg2[%mul3A_4] : memref<262144xf32, #tpu.memory_space<hbm>> -> memref<4096xf32, #tpu.memory_space<hbm>>
    %dma_start3A_7 = arith.constant 0 : i32
    %dma_start3A_8 = tpu.memref_slice %arg9[%dma_start3A_7] : memref<8192xf32, #tpu.memory_space<vmem>> -> memref<4096xf32, #tpu.memory_space<vmem>>
    %dma_start3A_9 = tpu.memref_slice %arg2[%mul3A_4] : memref<262144xf32, #tpu.memory_space<hbm>> -> memref<4096xf32, #tpu.memory_space<hbm>>
    tpu.enqueue_dma source(%dma_start3A_9 : memref<4096xf32, #tpu.memory_space<hbm>>) target(%dma_start3A_8 : memref<4096xf32, #tpu.memory_space<vmem>>) target_semaphore(%arg13 : memref<!tpu.dma_semaphore, #tpu.memory_space<semaphore_mem>>)
    %mul3A_10 = arith.constant 16 : i32
    %mul3A_11 = arith.muli %mul3A_2, %mul3A_10 : i32
    %add3A_12 = arith.constant 4096 : i32
    %add3A_13 = arith.addi %mul3A_11, %add3A_12 : i32
    %dma_start3A_14 = arith.constant 4096 : i32
    %dma_start3A_15 = tpu.memref_slice %arg9[%dma_start3A_14] : memref<8192xf32, #tpu.memory_space<vmem>> -> memref<4096xf32, #tpu.memory_space<vmem>>
    %dma_start3A_16 = tpu.memref_slice %arg2[%add3A_13] : memref<262144xf32, #tpu.memory_space<hbm>> -> memref<4096xf32, #tpu.memory_space<hbm>>
    %dma_start3A_17 = arith.constant 4096 : i32
    %dma_start3A_18 = tpu.memref_slice %arg9[%dma_start3A_17] : memref<8192xf32, #tpu.memory_space<vmem>> -> memref<4096xf32, #tpu.memory_space<vmem>>
    %dma_start3A_19 = tpu.memref_slice %arg2[%add3A_13] : memref<262144xf32, #tpu.memory_space<hbm>> -> memref<4096xf32, #tpu.memory_space<hbm>>
    tpu.enqueue_dma source(%dma_start3A_19 : memref<4096xf32, #tpu.memory_space<hbm>>) target(%dma_start3A_18 : memref<4096xf32, #tpu.memory_space<vmem>>) target_semaphore(%arg14 : memref<!tpu.dma_semaphore, #tpu.memory_space<semaphore_mem>>)
    tpu.enqueue_dma source(%arg3 : memref<16xi32, #tpu.memory_space<hbm>>) target(%arg6 : memref<16xi32, #tpu.memory_space<vmem>>) target_semaphore(%arg11 : memref<!tpu.dma_semaphore, #tpu.memory_space<semaphore_mem>>)
    tpu.enqueue_dma source(%arg4 : memref<16xf32, #tpu.memory_space<hbm>>) target(%arg7 : memref<16xf32, #tpu.memory_space<vmem>>) target_semaphore(%arg12 : memref<!tpu.dma_semaphore, #tpu.memory_space<semaphore_mem>>)
    tpu.wait_dma2 semaphore(%arg11 : memref<!tpu.dma_semaphore, #tpu.memory_space<semaphore_mem>>) src(%arg3 : memref<16xi32, #tpu.memory_space<hbm>>) dst(%arg6 : memref<16xi32, #tpu.memory_space<vmem>>)
    tpu.wait_dma2 semaphore(%arg12 : memref<!tpu.dma_semaphore, #tpu.memory_space<semaphore_mem>>) src(%arg4 : memref<16xf32, #tpu.memory_space<hbm>>) dst(%arg7 : memref<16xf32, #tpu.memory_space<vmem>>)
    %iota3A = tpu.iota {dimensions = array<i32: 0>} : vector<16xi32>
    %get3A = arith.constant 0 : index
    %get3A_20 = tpu.vector_load %arg6[%get3A] {strides = array<i32>} : memref<16xi32, #tpu.memory_space<vmem>>, vector<16xi32>,
    %slice3A = vector.extract_strided_slice %get3A_20 {offsets = [0], sizes = [1], strides = [1]} : vector<16xi32> to vector<1xi32>
    %squeeze3A = vector.extract %slice3A[0] : i32 from vector<1xi32>
    %lt3A = vector.broadcast %squeeze3A : i32 to vector<16xi32>
    %lt3A_21 = arith.cmpi slt, %lt3A, %iota3A : vector<16xi32>
    %jit3A = arith.constant 1 : i32
    %jit3A_22 = arith.constant 0 : i32
    %broadcast_in_dim3A = vector.broadcast %jit3A : i32 to vector<16xi32>
    %broadcast_in_dim3A_23 = vector.broadcast %jit3A_22 : i32 to vector<16xi32>
    %select_n3A = arith.select %lt3A_21, %broadcast_in_dim3A, %broadcast_in_dim3A_23 : vector<16xi1>, vector<16xi32>
    %slice3A_24 = vector.extract_strided_slice %get3A_20 {offsets = [1], sizes = [1], strides = [1]} : vector<16xi32> to vector<1xi32>
    %squeeze3A_25 = vector.extract %slice3A_24[0] : i32 from vector<1xi32>
    %lt3A_26 = vector.broadcast %squeeze3A_25 : i32 to vector<16xi32>
    %lt3A_27 = arith.cmpi slt, %lt3A_26, %iota3A : vector<16xi32>
    %jit3A_28 = arith.constant 1 : i32
    %jit3A_29 = arith.constant 0 : i32
    %broadcast_in_dim3A_30 = vector.broadcast %jit3A_28 : i32 to vector<16xi32>
    %broadcast_in_dim3A_31 = vector.broadcast %jit3A_29 : i32 to vector<16xi32>
    %select_n3A_32 = arith.select %lt3A_27, %broadcast_in_dim3A_30, %broadcast_in_dim3A_31 : vector<16xi1>, vector<16xi32>
    %add3A_33 = arith.addi %select_n3A, %select_n3A_32 : vector<16xi32>
    %slice3A_34 = vector.extract_strided_slice %get3A_20 {offsets = [2], sizes = [1], strides = [1]} : vector<16xi32> to vector<1xi32>
    %squeeze3A_35 = vector.extract %slice3A_34[0] : i32 from vector<1xi32>
    %lt3A_36 = vector.broadcast %squeeze3A_35 : i32 to vector<16xi32>
    %lt3A_37 = arith.cmpi slt, %lt3A_36, %iota3A : vector<16xi32>
    %jit3A_38 = arith.constant 1 : i32
    %jit3A_39 = arith.constant 0 : i32
    %broadcast_in_dim3A_40 = vector.broadcast %jit3A_38 : i32 to vector<16xi32>
    %broadcast_in_dim3A_41 = vector.broadcast %jit3A_39 : i32 to vector<16xi32>
    %select_n3A_42 = arith.select %lt3A_37, %broadcast_in_dim3A_40, %broadcast_in_dim3A_41 : vector<16xi1>, vector<16xi32>
    %add3A_43 = arith.addi %add3A_33, %select_n3A_42 : vector<16xi32>
    %slice3A_44 = vector.extract_strided_slice %get3A_20 {offsets = [3], sizes = [1], strides = [1]} : vector<16xi32> to vector<1xi32>
    %squeeze3A_45 = vector.extract %slice3A_44[0] : i32 from vector<1xi32>
    %lt3A_46 = vector.broadcast %squeeze3A_45 : i32 to vector<16xi32>
    %lt3A_47 = arith.cmpi slt, %lt3A_46, %iota3A : vector<16xi32>
    %jit3A_48 = arith.constant 1 : i32
    %jit3A_49 = arith.constant 0 : i32
    %broadcast_in_dim3A_50 = vector.broadcast %jit3A_48 : i32 to vector<16xi32>
    %broadcast_in_dim3A_51 = vector.broadcast %jit3A_49 : i32 to vector<16xi32>
    %select_n3A_52 = arith.select %lt3A_47, %broadcast_in_dim3A_50, %broadcast_in_dim3A_51 : vector<16xi1>, vector<16xi32>
    %add3A_53 = arith.addi %add3A_43, %select_n3A_52 : vector<16xi32>
    %slice3A_54 = vector.extract_strided_slice %get3A_20 {offsets = [4], sizes = [1], strides = [1]} : vector<16xi32> to vector<1xi32>
    %squeeze3A_55 = vector.extract %slice3A_54[0] : i32 from vector<1xi32>
    %lt3A_56 = vector.broadcast %squeeze3A_55 : i32 to vector<16xi32>
    %lt3A_57 = arith.cmpi slt, %lt3A_56, %iota3A : vector<16xi32>
    %jit3A_58 = arith.constant 1 : i32
    %jit3A_59 = arith.constant 0 : i32
    %broadcast_in_dim3A_60 = vector.broadcast %jit3A_58 : i32 to vector<16xi32>
    %broadcast_in_dim3A_61 = vector.broadcast %jit3A_59 : i32 to vector<16xi32>
    %select_n3A_62 = arith.select %lt3A_57, %broadcast_in_dim3A_60, %broadcast_in_dim3A_61 : vector<16xi1>, vector<16xi32>
    %add3A_63 = arith.addi %add3A_53, %select_n3A_62 : vector<16xi32>
    %slice3A_64 = vector.extract_strided_slice %get3A_20 {offsets = [5], sizes = [1], strides = [1]} : vector<16xi32> to vector<1xi32>
    %squeeze3A_65 = vector.extract %slice3A_64[0] : i32 from vector<1xi32>
    %lt3A_66 = vector.broadcast %squeeze3A_65 : i32 to vector<16xi32>
    %lt3A_67 = arith.cmpi slt, %lt3A_66, %iota3A : vector<16xi32>
    %jit3A_68 = arith.constant 1 : i32
    %jit3A_69 = arith.constant 0 : i32
    %broadcast_in_dim3A_70 = vector.broadcast %jit3A_68 : i32 to vector<16xi32>
    %broadcast_in_dim3A_71 = vector.broadcast %jit3A_69 : i32 to vector<16xi32>
    %select_n3A_72 = arith.select %lt3A_67, %broadcast_in_dim3A_70, %broadcast_in_dim3A_71 : vector<16xi1>, vector<16xi32>
    %add3A_73 = arith.addi %add3A_63, %select_n3A_72 : vector<16xi32>
    %slice3A_74 = vector.extract_strided_slice %get3A_20 {offsets = [6], sizes = [1], strides = [1]} : vector<16xi32> to vector<1xi32>
    %squeeze3A_75 = vector.extract %slice3A_74[0] : i32 from vector<1xi32>
    %lt3A_76 = vector.broadcast %squeeze3A_75 : i32 to vector<16xi32>
    %lt3A_77 = arith.cmpi slt, %lt3A_76, %iota3A : vector<16xi32>
    %jit3A_78 = arith.constant 1 : i32
    %jit3A_79 = arith.constant 0 : i32
    %broadcast_in_dim3A_80 = vector.broadcast %jit3A_78 : i32 to vector<16xi32>
    %broadcast_in_dim3A_81 = vector.broadcast %jit3A_79 : i32 to vector<16xi32>
    %select_n3A_82 = arith.select %lt3A_77, %broadcast_in_dim3A_80, %broadcast_in_dim3A_81 : vector<16xi1>, vector<16xi32>
    %add3A_83 = arith.addi %add3A_73, %select_n3A_82 : vector<16xi32>
    %slice3A_84 = vector.extract_strided_slice %get3A_20 {offsets = [7], sizes = [1], strides = [1]} : vector<16xi32> to vector<1xi32>
    %squeeze3A_85 = vector.extract %slice3A_84[0] : i32 from vector<1xi32>
    %lt3A_86 = vector.broadcast %squeeze3A_85 : i32 to vector<16xi32>
    %lt3A_87 = arith.cmpi slt, %lt3A_86, %iota3A : vector<16xi32>
    %jit3A_88 = arith.constant 1 : i32
    %jit3A_89 = arith.constant 0 : i32
    %broadcast_in_dim3A_90 = vector.broadcast %jit3A_88 : i32 to vector<16xi32>
    %broadcast_in_dim3A_91 = vector.broadcast %jit3A_89 : i32 to vector<16xi32>
    %select_n3A_92 = arith.select %lt3A_87, %broadcast_in_dim3A_90, %broadcast_in_dim3A_91 : vector<16xi1>, vector<16xi32>
    %add3A_93 = arith.addi %add3A_83, %select_n3A_92 : vector<16xi32>
    %slice3A_94 = vector.extract_strided_slice %get3A_20 {offsets = [8], sizes = [1], strides = [1]} : vector<16xi32> to vector<1xi32>
    %squeeze3A_95 = vector.extract %slice3A_94[0] : i32 from vector<1xi32>
    %lt3A_96 = vector.broadcast %squeeze3A_95 : i32 to vector<16xi32>
    %lt3A_97 = arith.cmpi slt, %lt3A_96, %iota3A : vector<16xi32>
    %jit3A_98 = arith.constant 1 : i32
    %jit3A_99 = arith.constant 0 : i32
    %broadcast_in_dim3A_100 = vector.broadcast %jit3A_98 : i32 to vector<16xi32>
    %broadcast_in_dim3A_101 = vector.broadcast %jit3A_99 : i32 to vector<16xi32>
    %select_n3A_102 = arith.select %lt3A_97, %broadcast_in_dim3A_100, %broadcast_in_dim3A_101 : vector<16xi1>, vector<16xi32>
    %add3A_103 = arith.addi %add3A_93, %select_n3A_102 : vector<16xi32>
    %slice3A_104 = vector.extract_strided_slice %get3A_20 {offsets = [9], sizes = [1], strides = [1]} : vector<16xi32> to vector<1xi32>
    %squeeze3A_105 = vector.extract %slice3A_104[0] : i32 from vector<1xi32>
    %lt3A_106 = vector.broadcast %squeeze3A_105 : i32 to vector<16xi32>
    %lt3A_107 = arith.cmpi slt, %lt3A_106, %iota3A : vector<16xi32>
    %jit3A_108 = arith.constant 1 : i32
    %jit3A_109 = arith.constant 0 : i32
    %broadcast_in_dim3A_110 = vector.broadcast %jit3A_108 : i32 to vector<16xi32>
    %broadcast_in_dim3A_111 = vector.broadcast %jit3A_109 : i32 to vector<16xi32>
    %select_n3A_112 = arith.select %lt3A_107, %broadcast_in_dim3A_110, %broadcast_in_dim3A_111 : vector<16xi1>, vector<16xi32>
    %add3A_113 = arith.addi %add3A_103, %select_n3A_112 : vector<16xi32>
    %slice3A_114 = vector.extract_strided_slice %get3A_20 {offsets = [10], sizes = [1], strides = [1]} : vector<16xi32> to vector<1xi32>
    %squeeze3A_115 = vector.extract %slice3A_114[0] : i32 from vector<1xi32>
    %lt3A_116 = vector.broadcast %squeeze3A_115 : i32 to vector<16xi32>
    %lt3A_117 = arith.cmpi slt, %lt3A_116, %iota3A : vector<16xi32>
    %jit3A_118 = arith.constant 1 : i32
    %jit3A_119 = arith.constant 0 : i32
    %broadcast_in_dim3A_120 = vector.broadcast %jit3A_118 : i32 to vector<16xi32>
    %broadcast_in_dim3A_121 = vector.broadcast %jit3A_119 : i32 to vector<16xi32>
    %select_n3A_122 = arith.select %lt3A_117, %broadcast_in_dim3A_120, %broadcast_in_dim3A_121 : vector<16xi1>, vector<16xi32>
    %add3A_123 = arith.addi %add3A_113, %select_n3A_122 : vector<16xi32>
    %slice3A_124 = vector.extract_strided_slice %get3A_20 {offsets = [11], sizes = [1], strides = [1]} : vector<16xi32> to vector<1xi32>
    %squeeze3A_125 = vector.extract %slice3A_124[0] : i32 from vector<1xi32>
    %lt3A_126 = vector.broadcast %squeeze3A_125 : i32 to vector<16xi32>
    %lt3A_127 = arith.cmpi slt, %lt3A_126, %iota3A : vector<16xi32>
    %jit3A_128 = arith.constant 1 : i32
    %jit3A_129 = arith.constant 0 : i32
    %broadcast_in_dim3A_130 = vector.broadcast %jit3A_128 : i32 to vector<16xi32>
    %broadcast_in_dim3A_131 = vector.broadcast %jit3A_129 : i32 to vector<16xi32>
    %select_n3A_132 = arith.select %lt3A_127, %broadcast_in_dim3A_130, %broadcast_in_dim3A_131 : vector<16xi1>, vector<16xi32>
    %add3A_133 = arith.addi %add3A_123, %select_n3A_132 : vector<16xi32>
    %slice3A_134 = vector.extract_strided_slice %get3A_20 {offsets = [12], sizes = [1], strides = [1]} : vector<16xi32> to vector<1xi32>
    %squeeze3A_135 = vector.extract %slice3A_134[0] : i32 from vector<1xi32>
    %lt3A_136 = vector.broadcast %squeeze3A_135 : i32 to vector<16xi32>
    %lt3A_137 = arith.cmpi slt, %lt3A_136, %iota3A : vector<16xi32>
    %jit3A_138 = arith.constant 1 : i32
    %jit3A_139 = arith.constant 0 : i32
    %broadcast_in_dim3A_140 = vector.broadcast %jit3A_138 : i32 to vector<16xi32>
    %broadcast_in_dim3A_141 = vector.broadcast %jit3A_139 : i32 to vector<16xi32>
    %select_n3A_142 = arith.select %lt3A_137, %broadcast_in_dim3A_140, %broadcast_in_dim3A_141 : vector<16xi1>, vector<16xi32>
    %add3A_143 = arith.addi %add3A_133, %select_n3A_142 : vector<16xi32>
    %slice3A_144 = vector.extract_strided_slice %get3A_20 {offsets = [13], sizes = [1], strides = [1]} : vector<16xi32> to vector<1xi32>
    %squeeze3A_145 = vector.extract %slice3A_144[0] : i32 from vector<1xi32>
    %lt3A_146 = vector.broadcast %squeeze3A_145 : i32 to vector<16xi32>
    %lt3A_147 = arith.cmpi slt, %lt3A_146, %iota3A : vector<16xi32>
    %jit3A_148 = arith.constant 1 : i32
    %jit3A_149 = arith.constant 0 : i32
    %broadcast_in_dim3A_150 = vector.broadcast %jit3A_148 : i32 to vector<16xi32>
    %broadcast_in_dim3A_151 = vector.broadcast %jit3A_149 : i32 to vector<16xi32>
    %select_n3A_152 = arith.select %lt3A_147, %broadcast_in_dim3A_150, %broadcast_in_dim3A_151 : vector<16xi1>, vector<16xi32>
    %add3A_153 = arith.addi %add3A_143, %select_n3A_152 : vector<16xi32>
    %slice3A_154 = vector.extract_strided_slice %get3A_20 {offsets = [14], sizes = [1], strides = [1]} : vector<16xi32> to vector<1xi32>
    %squeeze3A_155 = vector.extract %slice3A_154[0] : i32 from vector<1xi32>
    %lt3A_156 = vector.broadcast %squeeze3A_155 : i32 to vector<16xi32>
    %lt3A_157 = arith.cmpi slt, %lt3A_156, %iota3A : vector<16xi32>
    %jit3A_158 = arith.constant 1 : i32
    %jit3A_159 = arith.constant 0 : i32
    %broadcast_in_dim3A_160 = vector.broadcast %jit3A_158 : i32 to vector<16xi32>
    %broadcast_in_dim3A_161 = vector.broadcast %jit3A_159 : i32 to vector<16xi32>
    %select_n3A_162 = arith.select %lt3A_157, %broadcast_in_dim3A_160, %broadcast_in_dim3A_161 : vector<16xi1>, vector<16xi32>
    %add3A_163 = arith.addi %add3A_153, %select_n3A_162 : vector<16xi32>
    %slice3A_164 = vector.extract_strided_slice %get3A_20 {offsets = [15], sizes = [1], strides = [1]} : vector<16xi32> to vector<1xi32>
    %squeeze3A_165 = vector.extract %slice3A_164[0] : i32 from vector<1xi32>
    %lt3A_166 = vector.broadcast %squeeze3A_165 : i32 to vector<16xi32>
    %lt3A_167 = arith.cmpi slt, %lt3A_166, %iota3A : vector<16xi32>
    %jit3A_168 = arith.constant 1 : i32
    %jit3A_169 = arith.constant 0 : i32
    %broadcast_in_dim3A_170 = vector.broadcast %jit3A_168 : i32 to vector<16xi32>
    %broadcast_in_dim3A_171 = vector.broadcast %jit3A_169 : i32 to vector<16xi32>
    %select_n3A_172 = arith.select %lt3A_167, %broadcast_in_dim3A_170, %broadcast_in_dim3A_171 : vector<16xi1>, vector<16xi32>
    %add3A_173 = arith.addi %add3A_163, %select_n3A_172 : vector<16xi32>
    %min3A = arith.constant 15 : i32
    %min3A_174 = vector.broadcast %min3A : i32 to vector<16xi32>
    %min3A_175 = arith.minsi %add3A_173, %min3A_174 : vector<16xi32>
    %gather3A = tpu.vector_load_idx %arg6[%min3A_175] : memref<16xi32, #tpu.memory_space<vmem>>[vector<16xi32>], vector<16xi32>,
    %gather3A_176 = tpu.vector_load_idx %arg7[%min3A_175] : memref<16xf32, #tpu.memory_space<vmem>>[vector<16xi32>], vector<16xf32>,
    %eq3A = arith.cmpi eq, %gather3A, %iota3A : vector<16xi32>
    %jit3A_177 = arith.constant -1.000000e+00 : f32
    %broadcast_in_dim3A_178 = vector.broadcast %jit3A_177 : f32 to vector<16xf32>
    %select_n3A_179 = arith.select %eq3A, %gather3A_176, %broadcast_in_dim3A_178 : vector<16xi1>, vector<16xf32>
    %swap3A = arith.constant 0 : index
    %swap3A_180 = tpu.vector_load %arg8[%swap3A] {strides = array<i32>} : memref<16xf32, #tpu.memory_space<vmem>>, vector<16xf32>,
    tpu.vector_store %arg8[%swap3A], %select_n3A_179 {strides = array<i32>} : memref<16xf32, #tpu.memory_space<vmem>>, vector<16xf32>,
    %add3A_181 = arith.constant 0 : i32
    %add3A_182 = vector.broadcast %add3A_181 : i32 to vector<16xi32>
    %add3A_183 = arith.addi %iota3A, %add3A_182 : vector<16xi32>
    %and3A = arith.constant 15 : i32
    %and3A_184 = vector.broadcast %and3A : i32 to vector<16xi32>
    %and3A_185 = arith.andi %add3A_183, %and3A_184 : vector<16xi32>
    %add3A_186 = arith.constant 1 : i32
    %add3A_187 = vector.broadcast %add3A_186 : i32 to vector<16xi32>
    %add3A_188 = arith.addi %iota3A, %add3A_187 : vector<16xi32>
    %and3A_189 = arith.constant 15 : i32
    %and3A_190 = vector.broadcast %and3A_189 : i32 to vector<16xi32>
    %and3A_191 = arith.andi %add3A_188, %and3A_190 : vector<16xi32>
    %add3A_192 = arith.constant 2 : i32
    %add3A_193 = vector.broadcast %add3A_192 : i32 to vector<16xi32>
    %add3A_194 = arith.addi %iota3A, %add3A_193 : vector<16xi32>
    %and3A_195 = arith.constant 15 : i32
    %and3A_196 = vector.broadcast %and3A_195 : i32 to vector<16xi32>
    %and3A_197 = arith.andi %add3A_194, %and3A_196 : vector<16xi32>
    %add3A_198 = arith.constant 3 : i32
    %add3A_199 = vector.broadcast %add3A_198 : i32 to vector<16xi32>
    %add3A_200 = arith.addi %iota3A, %add3A_199 : vector<16xi32>
    %and3A_201 = arith.constant 15 : i32
    %and3A_202 = vector.broadcast %and3A_201 : i32 to vector<16xi32>
    %and3A_203 = arith.andi %add3A_200, %and3A_202 : vector<16xi32>
    %add3A_204 = arith.constant 4 : i32
    %add3A_205 = vector.broadcast %add3A_204 : i32 to vector<16xi32>
    %add3A_206 = arith.addi %iota3A, %add3A_205 : vector<16xi32>
    %and3A_207 = arith.constant 15 : i32
    %and3A_208 = vector.broadcast %and3A_207 : i32 to vector<16xi32>
    %and3A_209 = arith.andi %add3A_206, %and3A_208 : vector<16xi32>
    %add3A_210 = arith.constant 5 : i32
    %add3A_211 = vector.broadcast %add3A_210 : i32 to vector<16xi32>
    %add3A_212 = arith.addi %iota3A, %add3A_211 : vector<16xi32>
    %and3A_213 = arith.constant 15 : i32
    %and3A_214 = vector.broadcast %and3A_213 : i32 to vector<16xi32>
    %and3A_215 = arith.andi %add3A_212, %and3A_214 : vector<16xi32>
    %add3A_216 = arith.constant 6 : i32
    %add3A_217 = vector.broadcast %add3A_216 : i32 to vector<16xi32>
    %add3A_218 = arith.addi %iota3A, %add3A_217 : vector<16xi32>
    %and3A_219 = arith.constant 15 : i32
    %and3A_220 = vector.broadcast %and3A_219 : i32 to vector<16xi32>
    %and3A_221 = arith.andi %add3A_218, %and3A_220 : vector<16xi32>
    %add3A_222 = arith.constant 7 : i32
    %add3A_223 = vector.broadcast %add3A_222 : i32 to vector<16xi32>
    %add3A_224 = arith.addi %iota3A, %add3A_223 : vector<16xi32>
    %and3A_225 = arith.constant 15 : i32
    %and3A_226 = vector.broadcast %and3A_225 : i32 to vector<16xi32>
    %and3A_227 = arith.andi %add3A_224, %and3A_226 : vector<16xi32>
    %add3A_228 = arith.constant 8 : i32
    %add3A_229 = vector.broadcast %add3A_228 : i32 to vector<16xi32>
    %add3A_230 = arith.addi %iota3A, %add3A_229 : vector<16xi32>
    %and3A_231 = arith.constant 15 : i32
    %and3A_232 = vector.broadcast %and3A_231 : i32 to vector<16xi32>
    %and3A_233 = arith.andi %add3A_230, %and3A_232 : vector<16xi32>
    %add3A_234 = arith.constant 9 : i32
    %add3A_235 = vector.broadcast %add3A_234 : i32 to vector<16xi32>
    %add3A_236 = arith.addi %iota3A, %add3A_235 : vector<16xi32>
    %and3A_237 = arith.constant 15 : i32
    %and3A_238 = vector.broadcast %and3A_237 : i32 to vector<16xi32>
    %and3A_239 = arith.andi %add3A_236, %and3A_238 : vector<16xi32>
    %add3A_240 = arith.constant 10 : i32
    %add3A_241 = vector.broadcast %add3A_240 : i32 to vector<16xi32>
    %add3A_242 = arith.addi %iota3A, %add3A_241 : vector<16xi32>
    %and3A_243 = arith.constant 15 : i32
    %and3A_244 = vector.broadcast %and3A_243 : i32 to vector<16xi32>
    %and3A_245 = arith.andi %add3A_242, %and3A_244 : vector<16xi32>
    %add3A_246 = arith.constant 11 : i32
    %add3A_247 = vector.broadcast %add3A_246 : i32 to vector<16xi32>
    %add3A_248 = arith.addi %iota3A, %add3A_247 : vector<16xi32>
    %and3A_249 = arith.constant 15 : i32
    %and3A_250 = vector.broadcast %and3A_249 : i32 to vector<16xi32>
    %and3A_251 = arith.andi %add3A_248, %and3A_250 : vector<16xi32>
    %add3A_252 = arith.constant 12 : i32
    %add3A_253 = vector.broadcast %add3A_252 : i32 to vector<16xi32>
    %add3A_254 = arith.addi %iota3A, %add3A_253 : vector<16xi32>
    %and3A_255 = arith.constant 15 : i32
    %and3A_256 = vector.broadcast %and3A_255 : i32 to vector<16xi32>
    %and3A_257 = arith.andi %add3A_254, %and3A_256 : vector<16xi32>
    %add3A_258 = arith.constant 13 : i32
    %add3A_259 = vector.broadcast %add3A_258 : i32 to vector<16xi32>
    %add3A_260 = arith.addi %iota3A, %add3A_259 : vector<16xi32>
    %and3A_261 = arith.constant 15 : i32
    %and3A_262 = vector.broadcast %and3A_261 : i32 to vector<16xi32>
    %and3A_263 = arith.andi %add3A_260, %and3A_262 : vector<16xi32>
    %add3A_264 = arith.constant 14 : i32
    %add3A_265 = vector.broadcast %add3A_264 : i32 to vector<16xi32>
    %add3A_266 = arith.addi %iota3A, %add3A_265 : vector<16xi32>
    %and3A_267 = arith.constant 15 : i32
    %and3A_268 = vector.broadcast %and3A_267 : i32 to vector<16xi32>
    %and3A_269 = arith.andi %add3A_266, %and3A_268 : vector<16xi32>
    %add3A_270 = arith.constant 15 : i32
    %add3A_271 = vector.broadcast %add3A_270 : i32 to vector<16xi32>
    %add3A_272 = arith.addi %iota3A, %add3A_271 : vector<16xi32>
    %and3A_273 = arith.constant 15 : i32
    %and3A_274 = vector.broadcast %and3A_273 : i32 to vector<16xi32>
    %and3A_275 = arith.andi %add3A_272, %and3A_274 : vector<16xi32>
    %mul3A_276 = arith.constant 16 : i32
    %mul3A_277 = vector.broadcast %mul3A_276 : i32 to vector<16xi32>
    %mul3A_278 = arith.muli %iota3A, %mul3A_277 : vector<16xi32>
    %dma_wait3A = arith.constant 0 : i32
    %dma_wait3A_279 = tpu.memref_slice %arg9[%dma_wait3A] : memref<8192xf32, #tpu.memory_space<vmem>> -> memref<4096xf32, #tpu.memory_space<vmem>>
    %dma_wait3A_280 = tpu.memref_slice %arg2[%mul3A_4] : memref<262144xf32, #tpu.memory_space<hbm>> -> memref<4096xf32, #tpu.memory_space<hbm>>
    %dma_wait3A_281 = arith.constant 0 : i32
    %dma_wait3A_282 = tpu.memref_slice %arg9[%dma_wait3A_281] : memref<8192xf32, #tpu.memory_space<vmem>> -> memref<4096xf32, #tpu.memory_space<vmem>>
    %dma_wait3A_283 = tpu.memref_slice %arg2[%mul3A_4] : memref<262144xf32, #tpu.memory_space<hbm>> -> memref<4096xf32, #tpu.memory_space<hbm>>
    tpu.wait_dma2 semaphore(%arg13 : memref<!tpu.dma_semaphore, #tpu.memory_space<semaphore_mem>>) src(%dma_wait3A_283 : memref<4096xf32, #tpu.memory_space<hbm>>) dst(%dma_wait3A_282 : memref<4096xf32, #tpu.memory_space<vmem>>)
    %parallel_loop3A = arith.constant 0 : i32
    %parallel_loop3A_284 = arith.constant 16 : i32
    %parallel_loop3A_285 = arith.constant 1 : i32
    scf.for %parallel_loop3A_309 = %parallel_loop3A to %parallel_loop3A_284 step %parallel_loop3A_285  : i32 {
      %parallel_loop3A_310 = arith.constant 256 : i32
      %parallel_loop3A_311 = arith.muli %parallel_loop3A_309, %parallel_loop3A_310 : i32
      %parallel_loop3A_312 = vector.broadcast %parallel_loop3A_311 : i32 to vector<16xi32>
      %parallel_loop3A_313 = arith.addi %parallel_loop3A_312, %mul3A_278 : vector<16xi32>
      %parallel_loop3A_314 = arith.addi %parallel_loop3A_313, %and3A_185 : vector<16xi32>
      %parallel_loop3A_315 = tpu.vector_load_idx %arg9[%parallel_loop3A_314] : memref<8192xf32, #tpu.memory_space<vmem>>[vector<16xi32>], vector<16xf32>,
      %parallel_loop3A_316 = arith.addi %parallel_loop3A_313, %and3A_191 : vector<16xi32>
      %parallel_loop3A_317 = tpu.vector_load_idx %arg9[%parallel_loop3A_316] : memref<8192xf32, #tpu.memory_space<vmem>>[vector<16xi32>], vector<16xf32>,
      %parallel_loop3A_318 = arith.addi %parallel_loop3A_313, %and3A_197 : vector<16xi32>
      %parallel_loop3A_319 = tpu.vector_load_idx %arg9[%parallel_loop3A_318] : memref<8192xf32, #tpu.memory_space<vmem>>[vector<16xi32>], vector<16xf32>,
      %parallel_loop3A_320 = arith.addi %parallel_loop3A_313, %and3A_203 : vector<16xi32>
      %parallel_loop3A_321 = tpu.vector_load_idx %arg9[%parallel_loop3A_320] : memref<8192xf32, #tpu.memory_space<vmem>>[vector<16xi32>], vector<16xf32>,
      %parallel_loop3A_322 = arith.addi %parallel_loop3A_313, %and3A_209 : vector<16xi32>
      %parallel_loop3A_323 = tpu.vector_load_idx %arg9[%parallel_loop3A_322] : memref<8192xf32, #tpu.memory_space<vmem>>[vector<16xi32>], vector<16xf32>,
      %parallel_loop3A_324 = arith.addi %parallel_loop3A_313, %and3A_215 : vector<16xi32>
      %parallel_loop3A_325 = tpu.vector_load_idx %arg9[%parallel_loop3A_324] : memref<8192xf32, #tpu.memory_space<vmem>>[vector<16xi32>], vector<16xf32>,
      %parallel_loop3A_326 = arith.addi %parallel_loop3A_313, %and3A_221 : vector<16xi32>
      %parallel_loop3A_327 = tpu.vector_load_idx %arg9[%parallel_loop3A_326] : memref<8192xf32, #tpu.memory_space<vmem>>[vector<16xi32>], vector<16xf32>,
      %parallel_loop3A_328 = arith.addi %parallel_loop3A_313, %and3A_227 : vector<16xi32>
      %parallel_loop3A_329 = tpu.vector_load_idx %arg9[%parallel_loop3A_328] : memref<8192xf32, #tpu.memory_space<vmem>>[vector<16xi32>], vector<16xf32>,
      %parallel_loop3A_330 = arith.addi %parallel_loop3A_313, %and3A_233 : vector<16xi32>
      %parallel_loop3A_331 = tpu.vector_load_idx %arg9[%parallel_loop3A_330] : memref<8192xf32, #tpu.memory_space<vmem>>[vector<16xi32>], vector<16xf32>,
      %parallel_loop3A_332 = arith.addi %parallel_loop3A_313, %and3A_239 : vector<16xi32>
      %parallel_loop3A_333 = tpu.vector_load_idx %arg9[%parallel_loop3A_332] : memref<8192xf32, #tpu.memory_space<vmem>>[vector<16xi32>], vector<16xf32>,
      %parallel_loop3A_334 = arith.addi %parallel_loop3A_313, %and3A_245 : vector<16xi32>
      %parallel_loop3A_335 = tpu.vector_load_idx %arg9[%parallel_loop3A_334] : memref<8192xf32, #tpu.memory_space<vmem>>[vector<16xi32>], vector<16xf32>,
      %parallel_loop3A_336 = arith.addi %parallel_loop3A_313, %and3A_251 : vector<16xi32>
      %parallel_loop3A_337 = tpu.vector_load_idx %arg9[%parallel_loop3A_336] : memref<8192xf32, #tpu.memory_space<vmem>>[vector<16xi32>], vector<16xf32>,
      %parallel_loop3A_338 = arith.addi %parallel_loop3A_313, %and3A_257 : vector<16xi32>
      %parallel_loop3A_339 = tpu.vector_load_idx %arg9[%parallel_loop3A_338] : memref<8192xf32, #tpu.memory_space<vmem>>[vector<16xi32>], vector<16xf32>,
      %parallel_loop3A_340 = arith.addi %parallel_loop3A_313, %and3A_263 : vector<16xi32>
      %parallel_loop3A_341 = tpu.vector_load_idx %arg9[%parallel_loop3A_340] : memref<8192xf32, #tpu.memory_space<vmem>>[vector<16xi32>], vector<16xf32>,
      %parallel_loop3A_342 = arith.addi %parallel_loop3A_313, %and3A_269 : vector<16xi32>
      %parallel_loop3A_343 = tpu.vector_load_idx %arg9[%parallel_loop3A_342] : memref<8192xf32, #tpu.memory_space<vmem>>[vector<16xi32>], vector<16xf32>,
      %parallel_loop3A_344 = arith.addi %parallel_loop3A_313, %and3A_275 : vector<16xi32>
      %parallel_loop3A_345 = tpu.vector_load_idx %arg9[%parallel_loop3A_344] : memref<8192xf32, #tpu.memory_space<vmem>>[vector<16xi32>], vector<16xf32>,
      %parallel_loop3A_346 = arith.maximumf %parallel_loop3A_315, %parallel_loop3A_317 : vector<16xf32>
      %parallel_loop3A_347 = arith.maximumf %parallel_loop3A_319, %parallel_loop3A_321 : vector<16xf32>
      %parallel_loop3A_348 = arith.maximumf %parallel_loop3A_323, %parallel_loop3A_325 : vector<16xf32>
      %parallel_loop3A_349 = arith.maximumf %parallel_loop3A_327, %parallel_loop3A_329 : vector<16xf32>
      %parallel_loop3A_350 = arith.maximumf %parallel_loop3A_331, %parallel_loop3A_333 : vector<16xf32>
      %parallel_loop3A_351 = arith.maximumf %parallel_loop3A_335, %parallel_loop3A_337 : vector<16xf32>
      %parallel_loop3A_352 = arith.maximumf %parallel_loop3A_339, %parallel_loop3A_341 : vector<16xf32>
      %parallel_loop3A_353 = arith.maximumf %parallel_loop3A_343, %parallel_loop3A_345 : vector<16xf32>
      %parallel_loop3A_354 = arith.maximumf %parallel_loop3A_346, %parallel_loop3A_347 : vector<16xf32>
      %parallel_loop3A_355 = arith.maximumf %parallel_loop3A_348, %parallel_loop3A_349 : vector<16xf32>
      %parallel_loop3A_356 = arith.maximumf %parallel_loop3A_350, %parallel_loop3A_351 : vector<16xf32>
      %parallel_loop3A_357 = arith.maximumf %parallel_loop3A_352, %parallel_loop3A_353 : vector<16xf32>
      %parallel_loop3A_358 = arith.maximumf %parallel_loop3A_354, %parallel_loop3A_355 : vector<16xf32>
      %parallel_loop3A_359 = arith.maximumf %parallel_loop3A_356, %parallel_loop3A_357 : vector<16xf32>
      %parallel_loop3A_360 = arith.maximumf %parallel_loop3A_358, %parallel_loop3A_359 : vector<16xf32>
      %parallel_loop3A_361 = arith.cmpf oeq, %parallel_loop3A_315, %parallel_loop3A_360 : vector<16xf32>
      %parallel_loop3A_362 = arith.constant 1048576 : i32
      %parallel_loop3A_363 = vector.broadcast %parallel_loop3A_362 : i32 to vector<16xi32>
      %parallel_loop3A_364 = arith.select %parallel_loop3A_361, %and3A_185, %parallel_loop3A_363 : vector<16xi1>, vector<16xi32>
      %parallel_loop3A_365 = arith.cmpf oeq, %parallel_loop3A_317, %parallel_loop3A_360 : vector<16xf32>
      %parallel_loop3A_366 = arith.constant 1048576 : i32
      %parallel_loop3A_367 = vector.broadcast %parallel_loop3A_366 : i32 to vector<16xi32>
      %parallel_loop3A_368 = arith.select %parallel_loop3A_365, %and3A_191, %parallel_loop3A_367 : vector<16xi1>, vector<16xi32>
      %parallel_loop3A_369 = arith.minsi %parallel_loop3A_364, %parallel_loop3A_368 : vector<16xi32>
      %parallel_loop3A_370 = arith.cmpf oeq, %parallel_loop3A_319, %parallel_loop3A_360 : vector<16xf32>
      %parallel_loop3A_371 = arith.constant 1048576 : i32
      %parallel_loop3A_372 = vector.broadcast %parallel_loop3A_371 : i32 to vector<16xi32>
      %parallel_loop3A_373 = arith.select %parallel_loop3A_370, %and3A_197, %parallel_loop3A_372 : vector<16xi1>, vector<16xi32>
      %parallel_loop3A_374 = arith.minsi %parallel_loop3A_369, %parallel_loop3A_373 : vector<16xi32>
      %parallel_loop3A_375 = arith.cmpf oeq, %parallel_loop3A_321, %parallel_loop3A_360 : vector<16xf32>
      %parallel_loop3A_376 = arith.constant 1048576 : i32
      %parallel_loop3A_377 = vector.broadcast %parallel_loop3A_376 : i32 to vector<16xi32>
      %parallel_loop3A_378 = arith.select %parallel_loop3A_375, %and3A_203, %parallel_loop3A_377 : vector<16xi1>, vector<16xi32>
      %parallel_loop3A_379 = arith.minsi %parallel_loop3A_374, %parallel_loop3A_378 : vector<16xi32>
      %parallel_loop3A_380 = arith.cmpf oeq, %parallel_loop3A_323, %parallel_loop3A_360 : vector<16xf32>
      %parallel_loop3A_381 = arith.constant 1048576 : i32
      %parallel_loop3A_382 = vector.broadcast %parallel_loop3A_381 : i32 to vector<16xi32>
      %parallel_loop3A_383 = arith.select %parallel_loop3A_380, %and3A_209, %parallel_loop3A_382 : vector<16xi1>, vector<16xi32>
      %parallel_loop3A_384 = arith.minsi %parallel_loop3A_379, %parallel_loop3A_383 : vector<16xi32>
      %parallel_loop3A_385 = arith.cmpf oeq, %parallel_loop3A_325, %parallel_loop3A_360 : vector<16xf32>
      %parallel_loop3A_386 = arith.constant 1048576 : i32
      %parallel_loop3A_387 = vector.broadcast %parallel_loop3A_386 : i32 to vector<16xi32>
      %parallel_loop3A_388 = arith.select %parallel_loop3A_385, %and3A_215, %parallel_loop3A_387 : vector<16xi1>, vector<16xi32>
      %parallel_loop3A_389 = arith.minsi %parallel_loop3A_384, %parallel_loop3A_388 : vector<16xi32>
      %parallel_loop3A_390 = arith.cmpf oeq, %parallel_loop3A_327, %parallel_loop3A_360 : vector<16xf32>
      %parallel_loop3A_391 = arith.constant 1048576 : i32
      %parallel_loop3A_392 = vector.broadcast %parallel_loop3A_391 : i32 to vector<16xi32>
      %parallel_loop3A_393 = arith.select %parallel_loop3A_390, %and3A_221, %parallel_loop3A_392 : vector<16xi1>, vector<16xi32>
      %parallel_loop3A_394 = arith.minsi %parallel_loop3A_389, %parallel_loop3A_393 : vector<16xi32>
      %parallel_loop3A_395 = arith.cmpf oeq, %parallel_loop3A_329, %parallel_loop3A_360 : vector<16xf32>
      %parallel_loop3A_396 = arith.constant 1048576 : i32
      %parallel_loop3A_397 = vector.broadcast %parallel_loop3A_396 : i32 to vector<16xi32>
      %parallel_loop3A_398 = arith.select %parallel_loop3A_395, %and3A_227, %parallel_loop3A_397 : vector<16xi1>, vector<16xi32>
      %parallel_loop3A_399 = arith.minsi %parallel_loop3A_394, %parallel_loop3A_398 : vector<16xi32>
      %parallel_loop3A_400 = arith.cmpf oeq, %parallel_loop3A_331, %parallel_loop3A_360 : vector<16xf32>
      %parallel_loop3A_401 = arith.constant 1048576 : i32
      %parallel_loop3A_402 = vector.broadcast %parallel_loop3A_401 : i32 to vector<16xi32>
      %parallel_loop3A_403 = arith.select %parallel_loop3A_400, %and3A_233, %parallel_loop3A_402 : vector<16xi1>, vector<16xi32>
      %parallel_loop3A_404 = arith.minsi %parallel_loop3A_399, %parallel_loop3A_403 : vector<16xi32>
      %parallel_loop3A_405 = arith.cmpf oeq, %parallel_loop3A_333, %parallel_loop3A_360 : vector<16xf32>
      %parallel_loop3A_406 = arith.constant 1048576 : i32
      %parallel_loop3A_407 = vector.broadcast %parallel_loop3A_406 : i32 to vector<16xi32>
      %parallel_loop3A_408 = arith.select %parallel_loop3A_405, %and3A_239, %parallel_loop3A_407 : vector<16xi1>, vector<16xi32>
      %parallel_loop3A_409 = arith.minsi %parallel_loop3A_404, %parallel_loop3A_408 : vector<16xi32>
      %parallel_loop3A_410 = arith.cmpf oeq, %parallel_loop3A_335, %parallel_loop3A_360 : vector<16xf32>
      %parallel_loop3A_411 = arith.constant 1048576 : i32
      %parallel_loop3A_412 = vector.broadcast %parallel_loop3A_411 : i32 to vector<16xi32>
      %parallel_loop3A_413 = arith.select %parallel_loop3A_410, %and3A_245, %parallel_loop3A_412 : vector<16xi1>, vector<16xi32>
      %parallel_loop3A_414 = arith.minsi %parallel_loop3A_409, %parallel_loop3A_413 : vector<16xi32>
      %parallel_loop3A_415 = arith.cmpf oeq, %parallel_loop3A_337, %parallel_loop3A_360 : vector<16xf32>
      %parallel_loop3A_416 = arith.constant 1048576 : i32
      %parallel_loop3A_417 = vector.broadcast %parallel_loop3A_416 : i32 to vector<16xi32>
      %parallel_loop3A_418 = arith.select %parallel_loop3A_415, %and3A_251, %parallel_loop3A_417 : vector<16xi1>, vector<16xi32>
      %parallel_loop3A_419 = arith.minsi %parallel_loop3A_414, %parallel_loop3A_418 : vector<16xi32>
      %parallel_loop3A_420 = arith.cmpf oeq, %parallel_loop3A_339, %parallel_loop3A_360 : vector<16xf32>
      %parallel_loop3A_421 = arith.constant 1048576 : i32
      %parallel_loop3A_422 = vector.broadcast %parallel_loop3A_421 : i32 to vector<16xi32>
      %parallel_loop3A_423 = arith.select %parallel_loop3A_420, %and3A_257, %parallel_loop3A_422 : vector<16xi1>, vector<16xi32>
      %parallel_loop3A_424 = arith.minsi %parallel_loop3A_419, %parallel_loop3A_423 : vector<16xi32>
      %parallel_loop3A_425 = arith.cmpf oeq, %parallel_loop3A_341, %parallel_loop3A_360 : vector<16xf32>
      %parallel_loop3A_426 = arith.constant 1048576 : i32
      %parallel_loop3A_427 = vector.broadcast %parallel_loop3A_426 : i32 to vector<16xi32>
      %parallel_loop3A_428 = arith.select %parallel_loop3A_425, %and3A_263, %parallel_loop3A_427 : vector<16xi1>, vector<16xi32>
      %parallel_loop3A_429 = arith.minsi %parallel_loop3A_424, %parallel_loop3A_428 : vector<16xi32>
      %parallel_loop3A_430 = arith.cmpf oeq, %parallel_loop3A_343, %parallel_loop3A_360 : vector<16xf32>
      %parallel_loop3A_431 = arith.constant 1048576 : i32
      %parallel_loop3A_432 = vector.broadcast %parallel_loop3A_431 : i32 to vector<16xi32>
      %parallel_loop3A_433 = arith.select %parallel_loop3A_430, %and3A_269, %parallel_loop3A_432 : vector<16xi1>, vector<16xi32>
      %parallel_loop3A_434 = arith.minsi %parallel_loop3A_429, %parallel_loop3A_433 : vector<16xi32>
      %parallel_loop3A_435 = arith.cmpf oeq, %parallel_loop3A_345, %parallel_loop3A_360 : vector<16xf32>
      %parallel_loop3A_436 = arith.constant 1048576 : i32
      %parallel_loop3A_437 = vector.broadcast %parallel_loop3A_436 : i32 to vector<16xi32>
      %parallel_loop3A_438 = arith.select %parallel_loop3A_435, %and3A_275, %parallel_loop3A_437 : vector<16xi1>, vector<16xi32>
      %parallel_loop3A_439 = arith.minsi %parallel_loop3A_434, %parallel_loop3A_438 : vector<16xi32>
      %parallel_loop3A_440 = tpu.vector_load_idx %arg8[%parallel_loop3A_439] : memref<16xf32, #tpu.memory_space<vmem>>[vector<16xi32>], vector<16xf32>,
      %parallel_loop3A_441 = arith.constant 16 : i32
      %parallel_loop3A_442 = arith.muli %parallel_loop3A_309, %parallel_loop3A_441 : i32
      %parallel_loop3A_443 = arith.index_cast %parallel_loop3A_442 : i32 to index
      %parallel_loop3A_444 = tpu.vector_load %arg10[%parallel_loop3A_443] {strides = array<i32>} : memref<512xf32, #tpu.memory_space<vmem>>, vector<16xf32>,
      tpu.vector_store %arg10[%parallel_loop3A_443], %parallel_loop3A_440 {strides = array<i32>} : memref<512xf32, #tpu.memory_space<vmem>>, vector<16xf32>,
    } {sc.loop_unroll_factor = 2 : i64, sc.parallel_access}
    %dma_start3A_286 = arith.constant 0 : i32
    %dma_start3A_287 = tpu.memref_slice %arg10[%dma_start3A_286] : memref<512xf32, #tpu.memory_space<vmem>> -> memref<256xf32, #tpu.memory_space<vmem>>
    %dma_start3A_288 = tpu.memref_slice %arg5[%mul3A_2] : memref<16384xf32, #tpu.memory_space<hbm>> -> memref<256xf32, #tpu.memory_space<hbm>>
    %dma_start3A_289 = tpu.memref_slice %arg5[%mul3A_2] : memref<16384xf32, #tpu.memory_space<hbm>> -> memref<256xf32, #tpu.memory_space<hbm>>
    %dma_start3A_290 = arith.constant 0 : i32
    %dma_start3A_291 = tpu.memref_slice %arg10[%dma_start3A_290] : memref<512xf32, #tpu.memory_space<vmem>> -> memref<256xf32, #tpu.memory_space<vmem>>
    tpu.enqueue_dma source(%dma_start3A_291 : memref<256xf32, #tpu.memory_space<vmem>>) target(%dma_start3A_289 : memref<256xf32, #tpu.memory_space<hbm>>) target_semaphore(%arg15 : memref<!tpu.dma_semaphore, #tpu.memory_space<semaphore_mem>>)
    %dma_wait3A_292 = arith.constant 4096 : i32
    %dma_wait3A_293 = tpu.memref_slice %arg9[%dma_wait3A_292] : memref<8192xf32, #tpu.memory_space<vmem>> -> memref<4096xf32, #tpu.memory_space<vmem>>
    %dma_wait3A_294 = tpu.memref_slice %arg2[%add3A_13] : memref<262144xf32, #tpu.memory_space<hbm>> -> memref<4096xf32, #tpu.memory_space<hbm>>
    %dma_wait3A_295 = arith.constant 4096 : i32
    %dma_wait3A_296 = tpu.memref_slice %arg9[%dma_wait3A_295] : memref<8192xf32, #tpu.memory_space<vmem>> -> memref<4096xf32, #tpu.memory_space<vmem>>
    %dma_wait3A_297 = tpu.memref_slice %arg2[%add3A_13] : memref<262144xf32, #tpu.memory_space<hbm>> -> memref<4096xf32, #tpu.memory_space<hbm>>
    tpu.wait_dma2 semaphore(%arg14 : memref<!tpu.dma_semaphore, #tpu.memory_space<semaphore_mem>>) src(%dma_wait3A_297 : memref<4096xf32, #tpu.memory_space<hbm>>) dst(%dma_wait3A_296 : memref<4096xf32, #tpu.memory_space<vmem>>)
    %parallel_loop3A_298 = arith.constant 16 : i32
    %parallel_loop3A_299 = arith.constant 32 : i32
    %parallel_loop3A_300 = arith.constant 1 : i32
    scf.for %parallel_loop3A_309 = %parallel_loop3A_298 to %parallel_loop3A_299 step %parallel_loop3A_300  : i32 {
      %parallel_loop3A_310 = arith.constant 256 : i32
      %parallel_loop3A_311 = arith.muli %parallel_loop3A_309, %parallel_loop3A_310 : i32
      %parallel_loop3A_312 = vector.broadcast %parallel_loop3A_311 : i32 to vector<16xi32>
      %parallel_loop3A_313 = arith.addi %parallel_loop3A_312, %mul3A_278 : vector<16xi32>
      %parallel_loop3A_314 = arith.addi %parallel_loop3A_313, %and3A_185 : vector<16xi32>
      %parallel_loop3A_315 = tpu.vector_load_idx %arg9[%parallel_loop3A_314] : memref<8192xf32, #tpu.memory_space<vmem>>[vector<16xi32>], vector<16xf32>,
      %parallel_loop3A_316 = arith.addi %parallel_loop3A_313, %and3A_191 : vector<16xi32>
      %parallel_loop3A_317 = tpu.vector_load_idx %arg9[%parallel_loop3A_316] : memref<8192xf32, #tpu.memory_space<vmem>>[vector<16xi32>], vector<16xf32>,
      %parallel_loop3A_318 = arith.addi %parallel_loop3A_313, %and3A_197 : vector<16xi32>
      %parallel_loop3A_319 = tpu.vector_load_idx %arg9[%parallel_loop3A_318] : memref<8192xf32, #tpu.memory_space<vmem>>[vector<16xi32>], vector<16xf32>,
      %parallel_loop3A_320 = arith.addi %parallel_loop3A_313, %and3A_203 : vector<16xi32>
      %parallel_loop3A_321 = tpu.vector_load_idx %arg9[%parallel_loop3A_320] : memref<8192xf32, #tpu.memory_space<vmem>>[vector<16xi32>], vector<16xf32>,
      %parallel_loop3A_322 = arith.addi %parallel_loop3A_313, %and3A_209 : vector<16xi32>
      %parallel_loop3A_323 = tpu.vector_load_idx %arg9[%parallel_loop3A_322] : memref<8192xf32, #tpu.memory_space<vmem>>[vector<16xi32>], vector<16xf32>,
      %parallel_loop3A_324 = arith.addi %parallel_loop3A_313, %and3A_215 : vector<16xi32>
      %parallel_loop3A_325 = tpu.vector_load_idx %arg9[%parallel_loop3A_324] : memref<8192xf32, #tpu.memory_space<vmem>>[vector<16xi32>], vector<16xf32>,
      %parallel_loop3A_326 = arith.addi %parallel_loop3A_313, %and3A_221 : vector<16xi32>
      %parallel_loop3A_327 = tpu.vector_load_idx %arg9[%parallel_loop3A_326] : memref<8192xf32, #tpu.memory_space<vmem>>[vector<16xi32>], vector<16xf32>,
      %parallel_loop3A_328 = arith.addi %parallel_loop3A_313, %and3A_227 : vector<16xi32>
      %parallel_loop3A_329 = tpu.vector_load_idx %arg9[%parallel_loop3A_328] : memref<8192xf32, #tpu.memory_space<vmem>>[vector<16xi32>], vector<16xf32>,
      %parallel_loop3A_330 = arith.addi %parallel_loop3A_313, %and3A_233 : vector<16xi32>
      %parallel_loop3A_331 = tpu.vector_load_idx %arg9[%parallel_loop3A_330] : memref<8192xf32, #tpu.memory_space<vmem>>[vector<16xi32>], vector<16xf32>,
      %parallel_loop3A_332 = arith.addi %parallel_loop3A_313, %and3A_239 : vector<16xi32>
      %parallel_loop3A_333 = tpu.vector_load_idx %arg9[%parallel_loop3A_332] : memref<8192xf32, #tpu.memory_space<vmem>>[vector<16xi32>], vector<16xf32>,
      %parallel_loop3A_334 = arith.addi %parallel_loop3A_313, %and3A_245 : vector<16xi32>
      %parallel_loop3A_335 = tpu.vector_load_idx %arg9[%parallel_loop3A_334] : memref<8192xf32, #tpu.memory_space<vmem>>[vector<16xi32>], vector<16xf32>,
      %parallel_loop3A_336 = arith.addi %parallel_loop3A_313, %and3A_251 : vector<16xi32>
      %parallel_loop3A_337 = tpu.vector_load_idx %arg9[%parallel_loop3A_336] : memref<8192xf32, #tpu.memory_space<vmem>>[vector<16xi32>], vector<16xf32>,
      %parallel_loop3A_338 = arith.addi %parallel_loop3A_313, %and3A_257 : vector<16xi32>
      %parallel_loop3A_339 = tpu.vector_load_idx %arg9[%parallel_loop3A_338] : memref<8192xf32, #tpu.memory_space<vmem>>[vector<16xi32>], vector<16xf32>,
      %parallel_loop3A_340 = arith.addi %parallel_loop3A_313, %and3A_263 : vector<16xi32>
      %parallel_loop3A_341 = tpu.vector_load_idx %arg9[%parallel_loop3A_340] : memref<8192xf32, #tpu.memory_space<vmem>>[vector<16xi32>], vector<16xf32>,
      %parallel_loop3A_342 = arith.addi %parallel_loop3A_313, %and3A_269 : vector<16xi32>
      %parallel_loop3A_343 = tpu.vector_load_idx %arg9[%parallel_loop3A_342] : memref<8192xf32, #tpu.memory_space<vmem>>[vector<16xi32>], vector<16xf32>,
      %parallel_loop3A_344 = arith.addi %parallel_loop3A_313, %and3A_275 : vector<16xi32>
      %parallel_loop3A_345 = tpu.vector_load_idx %arg9[%parallel_loop3A_344] : memref<8192xf32, #tpu.memory_space<vmem>>[vector<16xi32>], vector<16xf32>,
      %parallel_loop3A_346 = arith.maximumf %parallel_loop3A_315, %parallel_loop3A_317 : vector<16xf32>
      %parallel_loop3A_347 = arith.maximumf %parallel_loop3A_319, %parallel_loop3A_321 : vector<16xf32>
      %parallel_loop3A_348 = arith.maximumf %parallel_loop3A_323, %parallel_loop3A_325 : vector<16xf32>
      %parallel_loop3A_349 = arith.maximumf %parallel_loop3A_327, %parallel_loop3A_329 : vector<16xf32>
      %parallel_loop3A_350 = arith.maximumf %parallel_loop3A_331, %parallel_loop3A_333 : vector<16xf32>
      %parallel_loop3A_351 = arith.maximumf %parallel_loop3A_335, %parallel_loop3A_337 : vector<16xf32>
      %parallel_loop3A_352 = arith.maximumf %parallel_loop3A_339, %parallel_loop3A_341 : vector<16xf32>
      %parallel_loop3A_353 = arith.maximumf %parallel_loop3A_343, %parallel_loop3A_345 : vector<16xf32>
      %parallel_loop3A_354 = arith.maximumf %parallel_loop3A_346, %parallel_loop3A_347 : vector<16xf32>
      %parallel_loop3A_355 = arith.maximumf %parallel_loop3A_348, %parallel_loop3A_349 : vector<16xf32>
      %parallel_loop3A_356 = arith.maximumf %parallel_loop3A_350, %parallel_loop3A_351 : vector<16xf32>
      %parallel_loop3A_357 = arith.maximumf %parallel_loop3A_352, %parallel_loop3A_353 : vector<16xf32>
      %parallel_loop3A_358 = arith.maximumf %parallel_loop3A_354, %parallel_loop3A_355 : vector<16xf32>
      %parallel_loop3A_359 = arith.maximumf %parallel_loop3A_356, %parallel_loop3A_357 : vector<16xf32>
      %parallel_loop3A_360 = arith.maximumf %parallel_loop3A_358, %parallel_loop3A_359 : vector<16xf32>
      %parallel_loop3A_361 = arith.cmpf oeq, %parallel_loop3A_315, %parallel_loop3A_360 : vector<16xf32>
      %parallel_loop3A_362 = arith.constant 1048576 : i32
      %parallel_loop3A_363 = vector.broadcast %parallel_loop3A_362 : i32 to vector<16xi32>
      %parallel_loop3A_364 = arith.select %parallel_loop3A_361, %and3A_185, %parallel_loop3A_363 : vector<16xi1>, vector<16xi32>
      %parallel_loop3A_365 = arith.cmpf oeq, %parallel_loop3A_317, %parallel_loop3A_360 : vector<16xf32>
      %parallel_loop3A_366 = arith.constant 1048576 : i32
      %parallel_loop3A_367 = vector.broadcast %parallel_loop3A_366 : i32 to vector<16xi32>
      %parallel_loop3A_368 = arith.select %parallel_loop3A_365, %and3A_191, %parallel_loop3A_367 : vector<16xi1>, vector<16xi32>
      %parallel_loop3A_369 = arith.minsi %parallel_loop3A_364, %parallel_loop3A_368 : vector<16xi32>
      %parallel_loop3A_370 = arith.cmpf oeq, %parallel_loop3A_319, %parallel_loop3A_360 : vector<16xf32>
      %parallel_loop3A_371 = arith.constant 1048576 : i32
      %parallel_loop3A_372 = vector.broadcast %parallel_loop3A_371 : i32 to vector<16xi32>
      %parallel_loop3A_373 = arith.select %parallel_loop3A_370, %and3A_197, %parallel_loop3A_372 : vector<16xi1>, vector<16xi32>
      %parallel_loop3A_374 = arith.minsi %parallel_loop3A_369, %parallel_loop3A_373 : vector<16xi32>
      %parallel_loop3A_375 = arith.cmpf oeq, %parallel_loop3A_321, %parallel_loop3A_360 : vector<16xf32>
      %parallel_loop3A_376 = arith.constant 1048576 : i32
      %parallel_loop3A_377 = vector.broadcast %parallel_loop3A_376 : i32 to vector<16xi32>
      %parallel_loop3A_378 = arith.select %parallel_loop3A_375, %and3A_203, %parallel_loop3A_377 : vector<16xi1>, vector<16xi32>
      %parallel_loop3A_379 = arith.minsi %parallel_loop3A_374, %parallel_loop3A_378 : vector<16xi32>
      %parallel_loop3A_380 = arith.cmpf oeq, %parallel_loop3A_323, %parallel_loop3A_360 : vector<16xf32>
      %parallel_loop3A_381 = arith.constant 1048576 : i32
      %parallel_loop3A_382 = vector.broadcast %parallel_loop3A_381 : i32 to vector<16xi32>
      %parallel_loop3A_383 = arith.select %parallel_loop3A_380, %and3A_209, %parallel_loop3A_382 : vector<16xi1>, vector<16xi32>
      %parallel_loop3A_384 = arith.minsi %parallel_loop3A_379, %parallel_loop3A_383 : vector<16xi32>
      %parallel_loop3A_385 = arith.cmpf oeq, %parallel_loop3A_325, %parallel_loop3A_360 : vector<16xf32>
      %parallel_loop3A_386 = arith.constant 1048576 : i32
      %parallel_loop3A_387 = vector.broadcast %parallel_loop3A_386 : i32 to vector<16xi32>
      %parallel_loop3A_388 = arith.select %parallel_loop3A_385, %and3A_215, %parallel_loop3A_387 : vector<16xi1>, vector<16xi32>
      %parallel_loop3A_389 = arith.minsi %parallel_loop3A_384, %parallel_loop3A_388 : vector<16xi32>
      %parallel_loop3A_390 = arith.cmpf oeq, %parallel_loop3A_327, %parallel_loop3A_360 : vector<16xf32>
      %parallel_loop3A_391 = arith.constant 1048576 : i32
      %parallel_loop3A_392 = vector.broadcast %parallel_loop3A_391 : i32 to vector<16xi32>
      %parallel_loop3A_393 = arith.select %parallel_loop3A_390, %and3A_221, %parallel_loop3A_392 : vector<16xi1>, vector<16xi32>
      %parallel_loop3A_394 = arith.minsi %parallel_loop3A_389, %parallel_loop3A_393 : vector<16xi32>
      %parallel_loop3A_395 = arith.cmpf oeq, %parallel_loop3A_329, %parallel_loop3A_360 : vector<16xf32>
      %parallel_loop3A_396 = arith.constant 1048576 : i32
      %parallel_loop3A_397 = vector.broadcast %parallel_loop3A_396 : i32 to vector<16xi32>
      %parallel_loop3A_398 = arith.select %parallel_loop3A_395, %and3A_227, %parallel_loop3A_397 : vector<16xi1>, vector<16xi32>
      %parallel_loop3A_399 = arith.minsi %parallel_loop3A_394, %parallel_loop3A_398 : vector<16xi32>
      %parallel_loop3A_400 = arith.cmpf oeq, %parallel_loop3A_331, %parallel_loop3A_360 : vector<16xf32>
      %parallel_loop3A_401 = arith.constant 1048576 : i32
      %parallel_loop3A_402 = vector.broadcast %parallel_loop3A_401 : i32 to vector<16xi32>
      %parallel_loop3A_403 = arith.select %parallel_loop3A_400, %and3A_233, %parallel_loop3A_402 : vector<16xi1>, vector<16xi32>
      %parallel_loop3A_404 = arith.minsi %parallel_loop3A_399, %parallel_loop3A_403 : vector<16xi32>
      %parallel_loop3A_405 = arith.cmpf oeq, %parallel_loop3A_333, %parallel_loop3A_360 : vector<16xf32>
      %parallel_loop3A_406 = arith.constant 1048576 : i32
      %parallel_loop3A_407 = vector.broadcast %parallel_loop3A_406 : i32 to vector<16xi32>
      %parallel_loop3A_408 = arith.select %parallel_loop3A_405, %and3A_239, %parallel_loop3A_407 : vector<16xi1>, vector<16xi32>
      %parallel_loop3A_409 = arith.minsi %parallel_loop3A_404, %parallel_loop3A_408 : vector<16xi32>
      %parallel_loop3A_410 = arith.cmpf oeq, %parallel_loop3A_335, %parallel_loop3A_360 : vector<16xf32>
      %parallel_loop3A_411 = arith.constant 1048576 : i32
      %parallel_loop3A_412 = vector.broadcast %parallel_loop3A_411 : i32 to vector<16xi32>
      %parallel_loop3A_413 = arith.select %parallel_loop3A_410, %and3A_245, %parallel_loop3A_412 : vector<16xi1>, vector<16xi32>
      %parallel_loop3A_414 = arith.minsi %parallel_loop3A_409, %parallel_loop3A_413 : vector<16xi32>
      %parallel_loop3A_415 = arith.cmpf oeq, %parallel_loop3A_337, %parallel_loop3A_360 : vector<16xf32>
      %parallel_loop3A_416 = arith.constant 1048576 : i32
      %parallel_loop3A_417 = vector.broadcast %parallel_loop3A_416 : i32 to vector<16xi32>
      %parallel_loop3A_418 = arith.select %parallel_loop3A_415, %and3A_251, %parallel_loop3A_417 : vector<16xi1>, vector<16xi32>
      %parallel_loop3A_419 = arith.minsi %parallel_loop3A_414, %parallel_loop3A_418 : vector<16xi32>
      %parallel_loop3A_420 = arith.cmpf oeq, %parallel_loop3A_339, %parallel_loop3A_360 : vector<16xf32>
      %parallel_loop3A_421 = arith.constant 1048576 : i32
      %parallel_loop3A_422 = vector.broadcast %parallel_loop3A_421 : i32 to vector<16xi32>
      %parallel_loop3A_423 = arith.select %parallel_loop3A_420, %and3A_257, %parallel_loop3A_422 : vector<16xi1>, vector<16xi32>
      %parallel_loop3A_424 = arith.minsi %parallel_loop3A_419, %parallel_loop3A_423 : vector<16xi32>
      %parallel_loop3A_425 = arith.cmpf oeq, %parallel_loop3A_341, %parallel_loop3A_360 : vector<16xf32>
      %parallel_loop3A_426 = arith.constant 1048576 : i32
      %parallel_loop3A_427 = vector.broadcast %parallel_loop3A_426 : i32 to vector<16xi32>
      %parallel_loop3A_428 = arith.select %parallel_loop3A_425, %and3A_263, %parallel_loop3A_427 : vector<16xi1>, vector<16xi32>
      %parallel_loop3A_429 = arith.minsi %parallel_loop3A_424, %parallel_loop3A_428 : vector<16xi32>
      %parallel_loop3A_430 = arith.cmpf oeq, %parallel_loop3A_343, %parallel_loop3A_360 : vector<16xf32>
      %parallel_loop3A_431 = arith.constant 1048576 : i32
      %parallel_loop3A_432 = vector.broadcast %parallel_loop3A_431 : i32 to vector<16xi32>
      %parallel_loop3A_433 = arith.select %parallel_loop3A_430, %and3A_269, %parallel_loop3A_432 : vector<16xi1>, vector<16xi32>
      %parallel_loop3A_434 = arith.minsi %parallel_loop3A_429, %parallel_loop3A_433 : vector<16xi32>
      %parallel_loop3A_435 = arith.cmpf oeq, %parallel_loop3A_345, %parallel_loop3A_360 : vector<16xf32>
      %parallel_loop3A_436 = arith.constant 1048576 : i32
      %parallel_loop3A_437 = vector.broadcast %parallel_loop3A_436 : i32 to vector<16xi32>
      %parallel_loop3A_438 = arith.select %parallel_loop3A_435, %and3A_275, %parallel_loop3A_437 : vector<16xi1>, vector<16xi32>
      %parallel_loop3A_439 = arith.minsi %parallel_loop3A_434, %parallel_loop3A_438 : vector<16xi32>
      %parallel_loop3A_440 = tpu.vector_load_idx %arg8[%parallel_loop3A_439] : memref<16xf32, #tpu.memory_space<vmem>>[vector<16xi32>], vector<16xf32>,
      %parallel_loop3A_441 = arith.constant 16 : i32
      %parallel_loop3A_442 = arith.muli %parallel_loop3A_309, %parallel_loop3A_441 : i32
      %parallel_loop3A_443 = arith.index_cast %parallel_loop3A_442 : i32 to index
      %parallel_loop3A_444 = tpu.vector_load %arg10[%parallel_loop3A_443] {strides = array<i32>} : memref<512xf32, #tpu.memory_space<vmem>>, vector<16xf32>,
      tpu.vector_store %arg10[%parallel_loop3A_443], %parallel_loop3A_440 {strides = array<i32>} : memref<512xf32, #tpu.memory_space<vmem>>, vector<16xf32>,
    } {sc.loop_unroll_factor = 2 : i64, sc.parallel_access}
    %dma_wait3A_301 = arith.constant 0 : i32
    %dma_wait3A_302 = tpu.memref_slice %arg10[%dma_wait3A_301] : memref<512xf32, #tpu.memory_space<vmem>> -> memref<256xf32, #tpu.memory_space<vmem>>
    %dma_wait3A_303 = tpu.memref_slice %arg5[%mul3A_2] : memref<16384xf32, #tpu.memory_space<hbm>> -> memref<256xf32, #tpu.memory_space<hbm>>
    %dma_wait3A_304 = tpu.memref_slice %arg5[%mul3A_2] : memref<16384xf32, #tpu.memory_space<hbm>> -> memref<256xf32, #tpu.memory_space<hbm>>
    %dma_wait3A_305 = arith.constant 0 : i32
    %dma_wait3A_306 = tpu.memref_slice %arg10[%dma_wait3A_305] : memref<512xf32, #tpu.memory_space<vmem>> -> memref<256xf32, #tpu.memory_space<vmem>>
    tpu.wait_dma2 semaphore(%arg15 : memref<!tpu.dma_semaphore, #tpu.memory_space<semaphore_mem>>) src(%dma_wait3A_306 : memref<256xf32, #tpu.memory_space<vmem>>) dst(%dma_wait3A_304 : memref<256xf32, #tpu.memory_space<hbm>>)
    %add3A_307 = arith.constant 256 : i32
    %add3A_308 = arith.addi %mul3A_2, %add3A_307 : i32
    "tpu.region"() ({
      %run_scoped3A = tpu.sem_alloc : memref<!tpu.dma_semaphore, #tpu.memory_space<semaphore_mem>>
      %dma_start3A_309 = arith.constant 256 : i32
      %dma_start3A_310 = tpu.memref_slice %arg10[%dma_start3A_309] : memref<512xf32, #tpu.memory_space<vmem>> -> memref<256xf32, #tpu.memory_space<vmem>>
      %dma_start3A_311 = tpu.memref_slice %arg5[%add3A_308] : memref<16384xf32, #tpu.memory_space<hbm>> -> memref<256xf32, #tpu.memory_space<hbm>>
      %dma_start3A_312 = tpu.memref_slice %arg5[%add3A_308] : memref<16384xf32, #tpu.memory_space<hbm>> -> memref<256xf32, #tpu.memory_space<hbm>>
      %dma_start3A_313 = arith.constant 256 : i32
      %dma_start3A_314 = tpu.memref_slice %arg10[%dma_start3A_313] : memref<512xf32, #tpu.memory_space<vmem>> -> memref<256xf32, #tpu.memory_space<vmem>>
      tpu.enqueue_dma source(%dma_start3A_314 : memref<256xf32, #tpu.memory_space<vmem>>) target(%dma_start3A_312 : memref<256xf32, #tpu.memory_space<hbm>>) target_semaphore(%run_scoped3A : memref<!tpu.dma_semaphore, #tpu.memory_space<semaphore_mem>>)
      %dma_wait3A_315 = arith.constant 256 : i32
      %dma_wait3A_316 = tpu.memref_slice %arg10[%dma_wait3A_315] : memref<512xf32, #tpu.memory_space<vmem>> -> memref<256xf32, #tpu.memory_space<vmem>>
      %dma_wait3A_317 = tpu.memref_slice %arg5[%add3A_308] : memref<16384xf32, #tpu.memory_space<hbm>> -> memref<256xf32, #tpu.memory_space<hbm>>
      %dma_wait3A_318 = tpu.memref_slice %arg5[%add3A_308] : memref<16384xf32, #tpu.memory_space<hbm>> -> memref<256xf32, #tpu.memory_space<hbm>>
      %dma_wait3A_319 = arith.constant 256 : i32
      %dma_wait3A_320 = tpu.memref_slice %arg10[%dma_wait3A_319] : memref<512xf32, #tpu.memory_space<vmem>> -> memref<256xf32, #tpu.memory_space<vmem>>
      tpu.wait_dma2 semaphore(%run_scoped3A : memref<!tpu.dma_semaphore, #tpu.memory_space<semaphore_mem>>) src(%dma_wait3A_320 : memref<256xf32, #tpu.memory_space<vmem>>) dst(%dma_wait3A_318 : memref<256xf32, #tpu.memory_space<hbm>>)
      tpu.yield
    }) : () -> ()
    return
  }
}

</mosaic_0001>

<sc_bundles>
// kernel: _run.3.cloned.1.call-start
scs
__scs_entry_jumppad:
0x0: {  	(pc) =	sbr.rel $0x88, $3  }
0x1: {  	(tag) =	ssettag $0x0;
	lr =	simm.s32 $0x1  }
0x2: {  	[smem:$0x3F9E] =	sst lr;
	_ =	strace $0xD0000000  }
0x3: {  	_ = 	snop  }
0x4: {  	_ = 	snop  }
0x5: {  	_ = 	snop  }
0x6: {  	_ = 	snop  }
0x7: {  	_ = 	snop  }
__scs_overlays_trampoline_lowered:
0x8: {  	[smem:$0x3FAD] =	sst s0  }
0x9: {  	[smem:$0x3FAE] =	sst s1  }
0xa: {  	[smem:$0x3FAF] =	sst s2  }
0xb: {  	[smem:$0x3FB0] =	sst s3  }
0xc: {  	[smem:$0x3FB1] =	sst s4  }
0xd: {  	[smem:$0x3FB2] =	sst s5  }
0xe: {  	[smem:$0x3FB3] =	sst s6  }
0xf: {  	[smem:$0x3FB4] =	sst s7  }
0x10: {  	[smem:$0x3FB5] =	sst s8  }
0x11: {  	[smem:$0x3FB6] =	sst s9;
	s0 =	simm.s32 @!p0 $0x0  }
0x12: {  	s1 =	sld [smem:$0x3F9C];
	s0 =	simm.s32 @p0 $0x1  }
0x13: {  	[smem:$0x3FB7] =	sst s0;
	s0 =	simm.s32 @!p1 $0x0  }
0x14: {  	s2 =	sld [smem:$0x3F9B];
	s0 =	simm.s32 @p1 $0x1  }
0x15: {  	[smem:$0x3FB8] =	sst s0;
	s0 =	simm.s32 @!p2 $0x0  }
0x16: {  	s3 =	sld [smem:$0x3FDB];
	s0 =	simm.s32 @p2 $0x1  }
0x17: {  	s4 =	simm.s32 $0x1BF5;
	[smem:$0x3FBA] =	sst s0  }
0x18: {  	s0 =	sld [smem:$0x3F9D];
	_ =	swait.ge [sflag:s4], $0x0  }
0x19: {  	s7 =	sld [smem:$0x3F9E]  }
0x1a: {  	s8 =	sadd.s32 $0xFFFFE003, lr  }
0x1b: {  	s9 =	sadd.s32 $0xFFFFFEF7, lr;
	s5 =	simm.s32 $0xFFFFFFFF;
	p2 =	slt.u32 s8, $0xFFFFF086  }
0x1c: {  	p1 =	slt.u32 s9, $0xF7A;
	s5 =	simm.s32 @!p2 $0x0  }
0x1d: {  	s5 =	simm.s32 @p1 $0x1;
	p0 =	seq.s32 s7, s2  }
0x1e: {  	s7 =	smul.u32 @!p0 $0xF7A, s2;
	p2 =	seq.s32 @!p0 s5, $0x0  }
0x1f: {  	s9 =	smul.u32 $0xF7A, s1;
	s8 =	simm.s32 @!p0 $0x1BF5;
	p2 =	por !p2, p0  }
0x20: {  	[sflag:s8] =	ssyncset.s32 @!p0 $0xFFFFF086;
	s6 =	sadd.s32 @!p0 s3, s7;
	s7 =	simm.s32 @!p0 $0x108  }
0x21: {  	s3 =	sadd.s32 s3, s9;
	s6 =	sadd.s32 @!p0 $0x88, s6;
	s7 =	simm.s32 @p2 $0x1082  }
0x22: {  	[simem:s7], [sflag:s8] =	dma.local @!p0 [hbm:s6], $0xF7A  }
0x23: {  	s9 =	sor.u32 $0xD0000000, s2;
	s6 =	simm.s32 $0x108;
	_ =	swait.ge @!p0 [sflag:s8], $0x0  }
0x24: {  	s3 =	sadd.s32 $0x88, s3;
	s6 =	simm.s32 @!p1 $0x1082;
	[sflag:s4] =	ssyncset.s32 $0xFFFFF086  }
0x25: {  	[simem:s6], [sflag:s4] =	dma.local [hbm:s3], $0xF7A  }
0x26: {  	[smem:$0x3F9E] =	sst s1;
	(tag) =	ssettag s2;
	_ =	strace s9  }
0x27: {  	s1 =	sld [smem:$0x3FAE]  }
0x28: {  	s2 =	sld [smem:$0x3FAF]  }
0x29: {  	s4 =	sld [smem:$0x3FB1]  }
0x2a: {  	p0 =	seq.s32 s5, $0x0;
	s5 =	sld [smem:$0x3FB2]  }
0x2b: {  	s6 =	sld [smem:$0x3FB3]  }
0x2c: {  	s7 =	sld [smem:$0x3FB4]  }
0x2d: {  	s3 =	simm.s32 $0x108;
	s8 =	sld [smem:$0x3FB5]  }
0x2e: {  	s3 =	simm.s32 @!p0 $0x1082;
	s9 =	sld [smem:$0x3FB6]  }
0x2f: {  	lr =	sadd.s32 s0, s3;
	s0 =	sld [smem:$0x3FAD]  }
0x30: {  	s3 =	sld [smem:$0x3FB0]  }
0x31: {  	[smem:$0x3FB9] =	sst s10  }
0x32: {  	s10 =	sld [smem:$0x3FB7];
	_ =	sdelay $0x3  }
0x33: {  	p0 =	seq.s32 s10, $0x1;
	s10 =	sld [smem:$0x3FB9];
	_ =	sdelay $0x3  }
0x34: {  	[smem:$0x3FB9] =	sst s10  }
0x35: {  	s10 =	sld [smem:$0x3FB8];
	_ =	sdelay $0x3  }
0x36: {  	p1 =	seq.s32 s10, $0x1;
	s10 =	sld [smem:$0x3FB9];
	_ =	sdelay $0x3  }
0x37: {  	[smem:$0x3FB9] =	sst s10  }
0x38: {  	s10 =	sld [smem:$0x3FBA]  }
0x39: {  	_ = 	snop;
	(pc) =	sbr.ind lr, $3  }
0x3a: {  	_ = 	snop  }
0x3b: {  	_ = 	snop  }
0x3c: {  	p2 =	seq.s32 s10, $0x1;
	s10 =	sld [smem:$0x3FB9]  }
0x3d: {  	_ =	shalt  }
0x3e: {  	_ =	shalt  }
0x3f: {  	_ =	shalt  }
0x40: {  	_ =	shalt  }
0x41: {  	_ =	shalt  }
0x42: {  	_ =	shalt  }
0x43: {  	_ =	shalt  }
0x44: {  	_ =	shalt  }
0x45: {  	_ =	shalt  }
0x46: {  	_ =	shalt  }
0x47: {  	_ =	shalt  }
0x48: {  	_ =	shalt  }
0x49: {  	_ =	shalt  }
0x4a: {  	_ =	shalt  }
0x4b: {  	_ =	shalt  }
0x4c: {  	_ =	shalt  }
0x4d: {  	_ =	shalt  }
0x4e: {  	_ =	shalt  }
0x4f: {  	_ =	shalt  }
0x50: {  	_ =	shalt  }
0x51: {  	_ =	shalt  }
0x52: {  	_ =	shalt  }
0x53: {  	_ =	shalt  }
0x54: {  	_ =	shalt  }
0x55: {  	_ =	shalt  }
0x56: {  	_ =	shalt  }
0x57: {  	_ =	shalt  }
0x58: {  	_ =	shalt  }
0x59: {  	_ =	shalt  }
0x5a: {  	_ =	shalt  }
0x5b: {  	_ =	shalt  }
0x5c: {  	_ =	shalt  }
0x5d: {  	_ =	shalt  }
0x5e: {  	_ =	shalt  }
0x5f: {  	_ =	shalt  }
0x60: {  	_ =	shalt  }
0x61: {  	_ =	shalt  }
0x62: {  	_ =	shalt  }
0x63: {  	_ =	shalt  }
0x64: {  	_ =	shalt  }
0x65: {  	_ =	shalt  }
0x66: {  	_ =	shalt  }
0x67: {  	_ =	shalt  }
0x68: {  	_ =	shalt  }
0x69: {  	_ =	shalt  }
0x6a: {  	_ =	shalt  }
0x6b: {  	_ =	shalt  }
0x6c: {  	_ =	shalt  }
0x6d: {  	_ =	shalt  }
0x6e: {  	_ =	shalt  }
0x6f: {  	_ =	shalt  }
0x70: {  	_ =	shalt  }
0x71: {  	_ =	shalt  }
0x72: {  	_ =	shalt  }
0x73: {  	_ =	shalt  }
0x74: {  	_ =	shalt  }
0x75: {  	_ =	shalt  }
0x76: {  	_ =	shalt  }
0x77: {  	_ =	shalt  }
0x78: {  	_ =	shalt  }
0x79: {  	_ =	shalt  }
0x7a: {  	_ =	shalt  }
0x7b: {  	_ =	shalt  }
0x7c: {  	_ =	shalt  }
0x7d: {  	_ =	shalt  }
0x7e: {  	_ =	shalt  }
0x7f: {  	_ =	shalt  }
0x80: {  	_ =	shalt  }
0x81: {  	_ =	shalt  }
0x82: {  	_ =	shalt  }
0x83: {  	_ =	shalt  }
0x84: {  	_ =	shalt  }
0x85: {  	_ =	shalt  }
0x86: {  	_ =	shalt  }
0x87: {  	_ =	shalt  }
.Lfunc_end0:
.L_simem_size_0:
called_computation_lowered:
.L_overlay_start_0:
0x88: {  	s2 =	sld [smem:$0x3FD9]  }
0x89: {  	s3 =	sld [smem:$0x3FFE];
	_ =	sdelay $0x1  }
0x8a: {  	s1 =	srdreg.scid  }
0x8b: {  	s0 =	sand.u32 $0x1, s1  }
0x8c: {  	s18 =	sshll.u32 s0, $0xA;
	s2 =	sadd.s32 s3, s2  }
0x8d: {  	s2 =	sadd.s32 s2, s18  }
0x8e: {  	[smem:$0x3FC5] =	sst s2  }
0x8f: {  	_ = 	snop  }
0x90: {  	s2 =	sld [smem:$0x3FC9]  }
0x91: {  	s19 =	sld [smem:$0x3FC8]  }
0x92: {  	s4 =	sld [smem:$0x3FC7]  }
0x93: {  	s5 =	sld [smem:$0x3FD0];
	(tm) =	ssettm $0x1  }
0x94: {  	s6 =	sld [smem:$0x3FFB];
	_ =	sdelay $0x3  }
0x95: {  	_ =	strace s6  }
0x96: {  	s6 =	sld [smem:$0x3FFC];
	_ =	sdelay $0x3  }
0x97: {  	_ =	strace s6  }
0x98: {  	s6 =	sld [smem:$0x3FFD];
	_ =	sdelay $0x3  }
0x99: {  	_ =	strace s6  }
0x9a: {  	_ =	strace $0x8FFFFFFF  }
0x9b: {  	s20 =	sld [smem:$0x3FDB];
	_ =	sdelay $0x1  }
0x9c: {  	s7 =	simm.s32 $_scs_section_size  }
0x9d: {  	s8 =	simm.s32 $_size__tile_overlayer_lowered;
	s9 =	simm.s32 $_tile_overlayer_lowered  }
0x9e: {  	s23 =	simm.s32 $0x1BFF;
	s22 =	sshll.u32 s9, $0x1;
	s6 =	sadd.s32 s7, s20  }
0x9f: {  	s10 =	simm.s32 $0x0;
	s21 =	sshll.u32 s8, $0x1;
	s8 =	sadd.s32 s22, s6  }
0xa0: {  	[timem:s10], [sflag:s23] =	dma.local [hbm:s8], s21  }
0xa1: {  	_ =	swait.ge [sflag:s23], s21  }
0xa2: {  	s7 =	ssub.s32 $0x0, s21;
	[sflag:s23] =	ssyncset.done $0x0  }
0xa3: {  	[sflag:s23] =	ssyncadd.s32 s7;
	_ =	sdelay $0x1  }
0xa4: {  	s24 =	simm.s32 $0x1B8B  }
0xa5: {  	_ =	swait.ge [sflag:s24], $0x1  }
0xa6: {  	[sflag:s24] =	ssyncset.done $0x0  }
0xa7: {  	s25 =	simm.s32 $0x1B8E;
	[sflag:s24] =	ssyncadd.s32 $0xFFFFFFFF  }
0xa8: {  	s26 =	simm.s32 $execute0_lowered;
	[smem:$0x3FD2] =	sst s25  }
0xa9: {  	s7 =	sshll.u32 s26, $0x1;
	_ =	strace $0x80000046;
	[dreg:$0x1] =	wrdreg $0xFFFFFFFF  }
0xaa: {  	s28 =	simm.s32 $_size_execute0_lowered;
	s6 =	sadd.s32 s6, s7;
	[dreg:$0x0] =	wrdreg $0x0  }
0xab: {  	s7 =	sshll.u32 s28, $0x1;
	[dreg:$0x2] =	wrdreg s6  }
0xac: {  	[dreg:$0x3] =	wrdreg s7  }
0xad: {  	[dreg:$0x4] =	wrdreg $0xC0  }
0xae: {  	_ =	task [dreg:s10], $0x5FFFF  }
0xaf: {  	[dreg:$0x1] =	wrdreg $0xFFFFFFFF  }
0xb0: {  	[dreg:$0x0] =	wrdreg $0x60  }
0xb1: {  	[dreg:$0x2] =	wrdreg s2  }
0xb2: {  	[dreg:$0x3] =	wrdreg s19  }
0xb3: {  	[dreg:$0x4] =	wrdreg s4  }
0xb4: {  	[dreg:$0x5] =	wrdreg s5  }
0xb5: {  	[dreg:$0x6] =	wrdreg $0x9  }
0xb6: {  	_ =	task.clear_ibuf [dreg:s10], $0x7FFFF;
	_ =	strace $0x90000046  }
0xb7: {  	s29 =	simm.s32 $0x9;
	_ =	strace $0x80000048  }
0xb8: {  	_ =	swait.ge [sflag:s29], $0x1  }
0xb9: {  	[sflag:s29] =	ssyncadd.s32 $0xFFFFFFFF  }
0xba: {  	_ =	strace $0x90000048  }
0xbb: {  	_ =	sfence  }
0xbc: {  	s30 =	sld [smem:$0x0];
	_ =	sdelay $0x2  }
0xbd: {  	s31 =	sshll.u32 s1, $0xD;
	s1 =	sshrl.u32 s1, $0x2  }
0xbe: {  	s3 =	sand.u32 $0x4000, s31;
	s1 =	sadd.s32 s1, s30  }
0xbf: {  	s0 =	sor.u32 s3, s0;
	s1 =	sshll.u32 s1, $0x11  }
0xc0: {  	s0 =	sor.u32 s1, s0  }
0xc1: {  	s0 =	sadd.s32 $0x8F2B, s0  }
0xc2: {  	[sflag:s0] =	ssyncadd.remote.s32 $0x1  }
0xc3: {  	_ =	sfence.sel $0xFFFF  }
0xc4: {  	[dreg:$0x0] =	wrdreg $0xFFFFFFFF;
	(pc) =	sbr.abs _section_cstart, $3  }
0xc5: {  	[dreg:$0x1] =	wrdreg $0xFFFFFFFF  }
0xc6: {  	_ =	task.clear_ibuf [dreg:s10], $0x2FFFF;
	_ =	strace $0x9FFFFFFF  }
0xc7: {  	(tm) =	ssettm $0x7FFFFFFF  }
tec
execute0_lowered:
.L_overlay_start_1:
0x0: {  	(tag) =	ssettag $0x1  }
0x1: {  	v0 =	vimm.s32 $0xBCAB9A89  }
0x2: {  	v1 =	vimm.s32 $0xF0EFDECD;
	v2 =	vimm.s32 $0x34231201;
	v3 =	vimm.s32 $0x78675645  }
0x3: {  	v6 =	vlaneseq.u32;
	vm0 =	vcmask $0x1F10;
	v7 =	vimm.s32 $0xBDAC9B8A  }
0x4: {  	v9 =	vimm.s32 $0xF1E0DFCE;
	v10 =	vimm.s32 $0x35241302;
	v4 =	vimm.s32 $0x79685746  }
0x5: {  	v23 =	vimm.s32 $0xBEAD9C8B;
	v24 =	vimm.s32 $0xF2E1D0CF;
	v27 =	vimm.s32 $0x36251403  }
0x6: {  	v28 =	vimm.s32 $0x7A695847;
	v29 =	vimm.s32 $0xBFAE9D8C;
	v31 =	vimm.s32 $0xB0AF9E8D  }
0x7: {  	v35 =	vimm.s32 $0xF4E3D2C1;
	v36 =	vimm.s32 $0x38271605;
	v37 =	vimm.s32 $0x7C6B5A49  }
0x8: {  	v42 =	vimm.s32 $0xB1A09F8E;
	v44 =	vimm.s32 $0xF5E4D3C2;
	v46 =	vimm.s32 $0x39281706  }
0x9: {  	v47 =	vimm.s32 $0x7D6C5B4A;
	v52 =	vimm.s32 $0xB2A1908F;
	v53 =	vimm.s32 $0xF6E5D4C3  }
0xa: {  	v56 =	vimm.s32 $0x3A291807;
	v57 =	vimm.s32 $0x7E6D5C4B;
	v58 =	vimm.s32 $0xB3A29180  }
0xb: {  	v59 =	vimm.s32 $0xF7E6D5C4;
	v12 =	vimm.s32 $0x3B2A1908;
	v13 =	vimm.s32 $0x7F6E5D4C  }
0xc: {  	v16 =	vimm.s32 $0x7261504F;
	v17 =	vimm.s32 $0x74635241;
	v18 =	vimm.s32 $0x75645342  }
0xd: {  	v19 =	vimm.s32 $0xBAA99887;
	v20 =	vimm.s32 $0xFEEDDCCB;
	v0 =	vunpack.c.0.s8.s32 v0  }
0xe: {  	v1 =	vunpack.c.0.s8.s32 v1;
	v2 =	vunpack.c.0.s8.s32 v2;
	v3 =	vunpack.c.0.s8.s32 v3  }
0xf: {  	v8 =	vunpack.c.0.s8.s32 v7;
	v4 =	vunpack.c.0.s8.s32 v4;
	v11 =	vmul.u32 $0x11, v6  }
0x10: {  	v25 =	vunpack.c.0.s8.s32 v23;
	v26 =	vunpack.c.0.s8.s32 v24;
	v6 =	vunpack.c.0.s8.s32 v29  }
0x11: {  	v7 =	vimm.s32 $0xF3E2D1C0;
	v34 =	vunpack.c.0.s8.s32 v31;
	v43 =	vunpack.c.0.s8.s32 v42  }
0x12: {  	v45 =	vunpack.c.0.s8.s32 v44;
	v48 =	vunpack.c.0.s8.s32 v46;
	v49 =	vunpack.c.0.s8.s32 v47  }
0x13: {  	v54 =	vunpack.c.0.s8.s32 v52;
	v55 =	vunpack.c.0.s8.s32 v53;
	v14 =	vunpack.c.0.s8.s32 v59  }
0x14: {  	v12 =	vunpack.c.0.s8.s32 v12;
	v13 =	vunpack.c.0.s8.s32 v13;
	v24 =	vimm.s32 $0x3D2C1B0A  }
0x15: {  	v18 =	vunpack.c.0.s8.s32 v18;
	v19 =	vunpack.c.0.s8.s32 v19;
	v20 =	vunpack.c.0.s8.s32 v20  }
0x16: {  	v46 =	vimm.s32 $0x6543210F;
	v7 =	vunpack.c.0.s8.s32 v7;
	v0 =	vsel vm0, v1, v0  }
0x17: {  	v5 =	vsel vm0, v3, v2;
	v2 =	vunpack.c.0.s8.s32 v9;
	v9 =	vimm.s32 $0x7B6A5948  }
0x18: {  	[tilespmem:$0x1FE10] =	vst v11;
	v1 =	vsel vm0, v26, v25;
	v51 =	vsel vm0, v45, v43;
	v11 =	vunpack.c.0.s8.s32 v56  }
0x19: {  	v60 =	vsel vm0, v55, v54;
	v63 =	vsel vm0, v13, v12;
	v3 =	vimm.s32 $0xB4A39281  }
0x1a: {  	v13 =	vimm.s32 $0xB5A49382;
	v0 =	vcombine.low v5, v0;
	v5 =	vunpack.c.0.s8.s32 v10  }
0x1b: {  	v9 =	vunpack.c.0.s8.s32 v9;
	v32 =	vsel vm0, v7, v6;
	v10 =	vunpack.c.0.s8.s32 v35  }
0x1c: {  	v12 =	vunpack.c.0.s8.s32 v3;
	v6 =	vimm.s32 $0x706F5E4D;
	v13 =	vunpack.c.0.s8.s32 v13  }
0x1d: {  	v21 =	vsel vm0, v2, v8;
	v8 =	vimm.s32 $0x37261504;
	v15 =	vunpack.c.0.s8.s32 v6  }
0x1e: {  	v22 =	vsel vm0, v4, v5;
	v4 =	vunpack.c.0.s8.s32 v27;
	v5 =	vunpack.c.0.s8.s32 v28  }
0x1f: {  	v0 =	vand.u32 $0xFF, v0;
	v8 =	vunpack.c.0.s8.s32 v8;
	v40 =	vsel vm0, v10, v34  }
0x20: {  	v10 =	vunpack.c.0.s8.s32 v58;
	[tilespmem:$0x1FE20] =	vst v0;
	v0 =	vcombine.low v22, v21;
	v30 =	vsel vm0, v5, v4  }
0x21: {  	v33 =	vsel vm0, v9, v8;
	v8 =	vunpack.c.0.s8.s32 v36;
	v9 =	vunpack.c.0.s8.s32 v37  }
0x22: {  	v62 =	vsel vm0, v14, v10;
	v4 =	vimm.s32 $0xF8E7D6C5;
	v5 =	vimm.s32 $0x3C2B1A09  }
0x23: {  	v14 =	vimm.s32 $0xF9E8D7C6;
	v0 =	vand.u32 $0xFF, v0;
	v38 =	vcombine.low v30, v1  }
0x24: {  	v39 =	vcombine.low v33, v32;
	v10 =	vunpack.c.0.s8.s32 v4;
	v14 =	vunpack.c.0.s8.s32 v14  }
0x25: {  	v7 =	vcombine.low v63, v62;
	v32 =	vimm.s32 $0x3F2E1D0C;
	v41 =	vsel vm0, v9, v8  }
0x26: {  	v33 =	vimm.s32 $0x73625140;
	v9 =	vunpack.c.0.s8.s32 v57;
	v2 =	vcombine.low v41, v40  }
0x27: {  	[tilespmem:$0x1FE30] =	vst v0;
	v0 =	vand.u32 $0xFF, v38;
	v1 =	vand.u32 $0xFF, v39;
	v21 =	vsel vm0, v10, v12  }
0x28: {  	v23 =	vsel vm0, v14, v13;
	v12 =	vimm.s32 $0x71605F4E;
	v13 =	vimm.s32 $0xB6A59483  }
0x29: {  	v14 =	vimm.s32 $0xFAE9D8C7;
	v38 =	vimm.s32 $0x87654321;
	v39 =	vimm.s32 $0x10FEDCBA  }
0x2a: {  	[tilespmem:$0x1FE40] =	vst v0;
	v0 =	vsel vm0, v49, v48;
	v61 =	vsel vm0, v9, v11;
	v11 =	vunpack.c.0.s8.s32 v5  }
0x2b: {  	v12 =	vunpack.c.0.s8.s32 v12;
	v13 =	vunpack.c.0.s8.s32 v13;
	v14 =	vunpack.c.0.s8.s32 v14  }
0x2c: {  	v50 =	vand.u32 $0xFF, v2;
	v0 =	vcombine.low v0, v51;
	v2 =	vunpack.c.0.s8.s32 v33  }
0x2d: {  	v22 =	vsel vm0, v15, v11;
	v11 =	vunpack.c.0.s8.s32 v24;
	v15 =	vimm.s32 $0x3E2D1C0B  }
0x2e: {  	v26 =	vsel vm0, v14, v13;
	v13 =	vimm.s32 $0xFBEAD9C8;
	v24 =	vimm.s32 $0xCBA98765  }
0x2f: {  	[tilespmem:$0x1FE50] =	vst v1;
	v0 =	vand.u32 $0xFF, v0;
	v1 =	vcombine.low v22, v21;
	v21 =	vimm.s32 $0x3221100F  }
0x30: {  	v22 =	vimm.s32 $0x76655443;
	v42 =	vunpack.c.l.s4.s8 v24;
	v24 =	vunpack.c.l.s4.s8 v46  }
0x31: {  	v11 =	vsel vm0, v12, v11;
	v12 =	vunpack.c.0.s8.s32 v15;
	v15 =	vunpack.c.0.s8.s32 v16  }
0x32: {  	[tilespmem:$0x1FE70] =	vst v0;
	v0 =	vcombine.low v61, v60;
	v16 =	vunpack.c.0.s8.s32 v13;
	v28 =	vand.u32 $0xFF, v1  }
0x33: {  	v1 =	vunpack.c.0.s8.s32 v32;
	v27 =	vsel vm0, v15, v12;
	v12 =	vimm.s32 $0xB7A69584  }
0x34: {  	v0 =	vand.u32 $0xFF, v0;
	v14 =	vcombine.low v27, v26;
	v15 =	vunpack.c.0.s8.s32 v12  }
0x35: {  	v21 =	vunpack.c.0.s8.s32 v21;
	v25 =	vcombine.low v11, v23;
	[tilespmem:$0x1FE80] =	vst v0;
	v0 =	vand.u32 $0xFF, v7  }
0x36: {  	v1 =	vsel vm0, v2, v1;
	v30 =	vand.u32 $0xFF, v14;
	v31 =	vsel vm0, v16, v15  }
0x37: {  	v14 =	vimm.s32 $0xB8A79685;
	v15 =	vimm.s32 $0xFCEBDAC9;
	v16 =	vimm.s32 $0x302F1E0D  }
0x38: {  	v14 =	vunpack.c.0.s8.s32 v14;
	v15 =	vunpack.c.0.s8.s32 v15;
	v34 =	vunpack.c.0.s8.s32 v16  }
0x39: {  	[tilespmem:$0x1FE90] =	vst v0;
	v16 =	vunpack.c.0.s8.s32 v17;
	v17 =	vimm.s32 $0xFDECDBCA;
	v0 =	vcombine.low v1, v31  }
0x3a: {  	v1 =	vunpack.c.l.s4.s8 v38;
	v14 =	vsel vm0, v15, v14;
	v15 =	vimm.s32 $0xB9A89786  }
0x3b: {  	v2 =	vsel vm0, v16, v34;
	v16 =	vunpack.c.0.s8.s32 v17;
	v17 =	vimm.s32 $0x31201F0E  }
0x3c: {  	v22 =	vunpack.c.0.s8.s32 v22;
	v15 =	vunpack.c.0.s8.s32 v15;
	v17 =	vunpack.c.0.s8.s32 v17  }
0x3d: {  	v32 =	vimm.s32 $0xEDCBA987;
	v29 =	vand.u32 $0xFF, v25;
	v1 =	vunpack.c.0.s8.s32 v1  }
0x3e: {  	v35 =	vcombine.low v2, v14;
	v36 =	vsel vm0, v16, v15;
	v14 =	vsel vm0, v18, v17  }
0x3f: {  	v15 =	vsel vm0, v20, v19;
	v16 =	vsel vm0, v22, v21;
	v18 =	vimm.s32 $0x98765432  }
0x40: {  	v19 =	vimm.s32 $0x210FEDCB;
	v20 =	vimm.s32 $0xA9876543;
	v2 =	vcombine.low v14, v36  }
0x41: {  	v17 =	vcombine.low v16, v15;
	v16 =	vimm.s32 $0xFEDCBA9;
	v14 =	vand.u32 $0xFF, v0  }
0x42: {  	v18 =	vunpack.c.l.s4.s8 v18;
	v19 =	vunpack.c.l.s4.s8 v19;
	v20 =	vunpack.c.l.s4.s8 v20  }
0x43: {  	v37 =	vunpack.c.l.s4.s8 v16;
	v16 =	vand.u32 $0xFF, v2;
	v2 =	vunpack.c.l.s4.s8 v39  }
0x44: {  	v25 =	vunpack.c.0.s8.s32 v18;
	v26 =	vunpack.c.0.s8.s32 v19;
	v19 =	vimm.s32 $0xBA987654  }
0x45: {  	v18 =	vimm.s32 $0x3210FEDC;
	v0 =	vunpack.c.0.s8.s32 v37;
	v19 =	vunpack.c.l.s4.s8 v19  }
0x46: {  	[tilespmem:$0x1FE60] =	vst v50;
	v48 =	vunpack.c.0.s8.s32 v24;
	v18 =	vunpack.c.l.s4.s8 v18;
	v2 =	vunpack.c.0.s8.s32 v2  }
0x47: {  	[tilespmem:$0x1FEA0] =	vst v28;
	v32 =	vunpack.c.l.s4.s8 v32;
	v27 =	vunpack.c.0.s8.s32 v20;
	v20 =	vcombine.low v1, v0  }
0x48: {  	s5 =	rddreg [dreg:$0x0];
	[tilespmem:$0x1FEB0] =	vst v29;
	v28 =	vunpack.c.0.s8.s32 v18;
	v29 =	vunpack.c.0.s8.s32 v19;
	v40 =	vcombine.low v25, v2  }
0x49: {  	s0 =	rddreg [dreg:$0x1];
	v32 =	vunpack.c.0.s8.s32 v32;
	[tilespmem:$0x1FEC0] =	vst v30;
	v41 =	vcombine.low v27, v26;
	v19 =	vmovc v14;
	v14 =	vand.u32 $0xF, v20  }
0x4a: {  	s1 =	rddreg [dreg:$0x2];
	v43 =	vcombine.low v29, v28;
	[tilespmem:$0x1FED0] =	vst v14;
	v12 =	vand.u32 $0xF, v40  }
0x4b: {  	s7 =	rddreg [dreg:$0x3];
	s4 =	simm.s32 $0x0;
	v37 =	vcombine.low v32, v48;
	[tilespmem:$0x1FEE0] =	vst v12;
	v12 =	vand.u32 $0xF, v41  }
0x4c: {  	[smem:$0x7FF] =	sst s4;
	v0 =	vcombine.low v0, v1;
	v50 =	vand.u32 $0xF, v43;
	[tilespmem:$0x1FEF0] =	vst v12  }
0x4d: {  	s2 =	rddreg [dreg:$0x4];
	v44 =	vimm.s32 $0x543210FE;
	v58 =	vand.u32 $0xF, v37;
	v56 =	vcombine.low v2, v25;
	_ =	strace $0x80000047;
	[tilespmem:$0x1FF00] =	vst v50  }
0x4e: {  	v33 =	vimm.s32 $0xFEDCBA98;
	v57 =	vcombine.low v26, v27;
	v0 =	vand.u32 $0xF, v0;
	[tilespmem:$0x1FF40] =	vst v58  }
0x4f: {  	v33 =	vunpack.c.l.s4.s8 v33;
	v29 =	vcombine.low v28, v29;
	v1 =	vand.u32 $0xF, v56;
	[tilespmem:$0x1FF50] =	vst v0  }
0x50: {  	v32 =	vcombine.low v48, v32;
	v18 =	vimm.s32 $0x43210FED;
	v60 =	vand.u32 $0xF, v57;
	[tilespmem:$0x1FF60] =	vst v1  }
0x51: {  	v45 =	vimm.s32 $0xDCBA9876;
	v23 =	vunpack.c.l.s4.s8 v18;
	v61 =	vand.u32 $0xF, v29;
	[tilespmem:$0x1FF70] =	vst v60  }
0x52: {  	v49 =	vunpack.c.0.s8.s32 v33;
	v31 =	vunpack.c.0.s8.s32 v42;
	v63 =	vand.u32 $0xF, v32;
	[tilespmem:$0x1FF80] =	vst v61  }
0x53: {  	s6 =	srdreg.scid;
	v34 =	vimm.s32 $0x76543210;
	v21 =	vunpack.c.l.s4.s8 v44;
	v30 =	vunpack.c.0.s8.s32 v23;
	[tilespmem:$0x1FFB0] =	vst v63  }
0x54: {  	s3 =	stileid.u32;
	s11 =	simm.s32 $0x1180;
	s12 =	simm.s32 $0x80;
	v47 =	vunpack.c.l.s4.s8 v34;
	v15 =	vand.u32 $0xFF, v35;
	v23 =	vunpack.c.l.s4.s8 v45;
	[tilespmem:$0x1FFC0] =	vst v19  }
0x55: {  	s13 =	simm.s32 $0x1;
	s14 =	simm.s32 $0x2;
	s15 =	simm.s32 $0x3;
	v35 =	vunpack.c.0.s8.s32 v21;
	v17 =	vand.u32 $0xFF, v17;
	v51 =	vcombine.low v31, v30;
	[tilespmem:$0x1FFD0] =	vst v15  }
0x56: {  	s16 =	simm.s32 $0x100;
	s17 =	simm.s32 $0x2180;
	s18 =	simm.s32 $0x4;
	v36 =	vunpack.c.0.s8.s32 v23;
	v23 =	vunpack.c.0.s8.s32 v47;
	v30 =	vcombine.low v30, v31;
	[tilespmem:$0x1FFE0] =	vst v16  }
0x57: {  	s19 =	simm.s32 $0x5;
	s6 =	sand.u32 $0x1, s6;
	s8 =	sshll.u32 s3, $0x1;
	v24 =	vand.u32 $0xF, v49;
	[tilespmem:$0x1FFF0] =	vst v17;
	v53 =	vand.u32 $0xF, v51  }
0x58: {  	s20 =	simm.s32 $0x2280;
	s21 =	simm.s32 $0x6;
	s8 =	sor.u32 s6, s8;
	v52 =	vcombine.low v36, v35;
	v54 =	vcombine.low v24, v23;
	v62 =	vand.u32 $0xF, v30;
	[tilespmem:$0x1FF10] =	vst v53  }
0x59: {  	s22 =	simm.s32 $0x0;
	s6 =	ssub.s32 $0x2, s6;
	s9 =	sshll.u32 s8, $0xA;
	v59 =	vcombine.low v35, v36;
	[tilespmem:$0x1FF90] =	vst v62  }
0x5a: {  	s10 =	sshrl.u32 s6, $0x1;
	s8 =	sshll.u32 s8, $0x6;
	s5 =	sadd.s32 s5, s9;
	[tilespmem:$0x1FF20] =	vst v54;
	v55 =	vand.u32 $0xF, v52  }
0x5b: {  	s31 =	ssub.s32 s6, s10;
	s7 =	sadd.s32 s7, s8;
	s10 =	simm.s32 $0x180;
	v0 =	vand.u32 $0xF, v59;
	[tilespmem:$0x1FF30] =	vst v55  }
0x5c: {  	s6 =	sadd.s32 $0x200, s5;
	s8 =	sadd.s32 $0x20, s7;
	s9 =	smax.u32 s31, $0x1;
	[tilespmem:$0x1FFA0] =	vst v0  }
.LBB2_1:
0x5d: {  	[tilespmem:s10], [sflag:$0x3] =	stream.linear.gather [hbm4b:s5+s4], $0x1000, $0x38;
	[tilespmem:$0x2380] =	vst v63  }
0x5e: {  	_ = 	snop  }
0x5f: {  	[tilespmem:s11], [sflag:$0x4] =	stream.linear.gather [hbm4b:s6+s4], $0x1000, $0x38;
	[tilespmem:$0x2380] =	vst v63  }
0x60: {  	_ = 	snop  }
0x61: {  	[tilespmem:s4], [sflag:$0x1] =	stream.linear.gather [hbm4b:s0+s4], $0x80, $0x38;
	[tilespmem:$0x2380] =	vst v63  }
0x62: {  	_ = 	snop  }
0x63: {  	[tilespmem:s12], [sflag:$0x2] =	stream.linear.gather [hbm4b:s1+s4], $0x80, $0x38;
	[tilespmem:$0x2380] =	vst v63  }
0x64: {  	_ =	swait.ge [sflag:s13], $0x80  }
0x65: {  	[sflag:s13] =	ssyncset.done $0x0  }
0x66: {  	[sflag:s13] =	ssyncadd.s32 $0xFFFFFF80  }
0x67: {  	_ =	swait.ge [sflag:s14], $0x80  }
0x68: {  	[sflag:s14] =	ssyncset.done $0x0  }
0x69: {  	[sflag:s14] =	ssyncadd.s32 $0xFFFFFF80  }
0x6a: {  	v0 =	vld [tilespmem:$0x0];
	_ =	sdelay $0x4  }
0x6b: {  	v1 =	vbroadcast v0, $0x0  }
0x6c: {  	v2 =	vbroadcast v0, $0x1;
	v34 =	vbroadcast v0, $0x3  }
0x6d: {  	v54 =	vbroadcast v0, $0x4;
	v55 =	vbroadcast v0, $0x5  }
0x6e: {  	v3 =	vlaneseq.u32;
	v56 =	vbroadcast v0, $0x6;
	v57 =	vbroadcast v0, $0x7  }
0x6f: {  	v4 =	vimm.s32 $0x0;
	v58 =	vbroadcast v0, $0x8;
	v59 =	vbroadcast v0, $0x9  }
0x70: {  	v60 =	vbroadcast v0, $0xA;
	vm0 =	vlt.s32 v1, v3;
	v1 =	vbroadcast v0, $0x2  }
0x71: {  	v61 =	vbroadcast v0, $0xB;
	v62 =	vbroadcast v0, $0xC;
	vm1 =	vlt.s32 v2, v3  }
0x72: {  	v2 =	vsel vm0, $0x1, v4;
	v33 =	vsel vm1, $0x1, v4;
	vm7 =	vlt.s32 v1, v3  }
0x73: {  	vm8 =	vlt.s32 v34, v3;
	v2 =	vadd.s32 v33, v2;
	v1 =	vsel vm7, $0x1, v4  }
0x74: {  	vm9 =	vlt.s32 v54, v3;
	v1 =	vadd.s32 v1, v2;
	v2 =	vsel vm8, $0x1, v4  }
0x75: {  	vm10 =	vlt.s32 v55, v3;
	v1 =	vadd.s32 v2, v1;
	v2 =	vsel vm9, $0x1, v4  }
0x76: {  	vm11 =	vlt.s32 v56, v3;
	v1 =	vadd.s32 v2, v1;
	v2 =	vsel vm10, $0x1, v4  }
0x77: {  	vm12 =	vlt.s32 v57, v3;
	v1 =	vadd.s32 v2, v1;
	v2 =	vsel vm11, $0x1, v4  }
0x78: {  	vm13 =	vlt.s32 v58, v3;
	v1 =	vadd.s32 v2, v1;
	v2 =	vsel vm12, $0x1, v4  }
0x79: {  	vm14 =	vlt.s32 v59, v3;
	v1 =	vadd.s32 v2, v1;
	v2 =	vsel vm13, $0x1, v4  }
0x7a: {  	vm15 =	vlt.s32 v60, v3;
	v1 =	vadd.s32 v2, v1;
	v2 =	vsel vm14, $0x1, v4  }
0x7b: {  	vm4 =	vlt.s32 v61, v3;
	v1 =	vadd.s32 v2, v1;
	v2 =	vsel vm15, $0x1, v4  }
0x7c: {  	v63 =	vbroadcast v0, $0xD;
	v1 =	vadd.s32 v2, v1;
	v2 =	vsel vm4, $0x1, v4  }
0x7d: {  	vm5 =	vlt.s32 v62, v3;
	v1 =	vadd.s32 v2, v1;
	v2 =	vbroadcast v0, $0xE  }
0x7e: {  	vm6 =	vlt.s32 v63, v3;
	v33 =	vsel vm5, $0x1, v4;
	v0 =	vbroadcast v0, $0xF  }
0x7f: {  	v9 =	vsel vm6, $0x1, v4;
	v1 =	vadd.s32 v33, v1;
	vm7 =	vlt.s32 v2, v3  }
0x80: {  	v1 =	vadd.s32 v9, v1;
	vm8 =	vlt.s32 v0, v3;
	v2 =	vsel vm7, $0x1, v4  }
0x81: {  	v0 =	vadd.s32 v2, v1;
	v1 =	vsel vm8, $0x1, v4  }
0x82: {  	v0 =	vadd.s32 v1, v0  }
0x83: {  	v0 =	vmin.u32 v0, $0xF;
	_ =	sdelay $0x4  }
0x84: {  	v1 =	vld.idx.msk [tilespmem:v0+s4+$0x0], $0xffff  }
0x85: {  	v0 =	vld.idx.msk [tilespmem:v0+s12+$0x0], $0xffff;
	_ =	sdelay $0x3  }
0x86: {  	vm9 =	veq.s32 v1, v3  }
0x87: {  	v0 =	vnsel vm9, $0xBF800000, v0  }
0x88: {  	v11 =	vld [tilespmem:$0x1FE20];
	[tilespmem:$0x100] =	vst v0  }
0x89: {  	v9 =	vld [tilespmem:$0x1FE10];
	_ =	swait.ge [sflag:s15], $0x1000  }
0x8a: {  	v18 =	vld [tilespmem:$0x1FE30]  }
0x8b: {  	v13 =	vld [tilespmem:$0x1FE40]  }
0x8c: {  	v20 =	vld [tilespmem:$0x1FE50]  }
0x8d: {  	v22 =	vld [tilespmem:$0x1FE60]  }
0x8e: {  	s23 =	simm.s32 $0x0;
	v21 =	vld [tilespmem:$0x1FE70]  }
0x8f: {  	v1 =	vor.u32 s23, v9;
	v24 =	vld [tilespmem:$0x1FE80]  }
0x90: {  	v42 =	vor.u32 s23, v19;
	v26 =	vld [tilespmem:$0x1FE90]  }
0x91: {  	v43 =	vor.u32 s23, v15;
	v28 =	vld [tilespmem:$0x1FEA0]  }
0x92: {  	v44 =	vor.u32 s23, v16;
	[sflag:s15] =	ssyncset.done $0x0;
	v23 =	vld [tilespmem:$0x1FEB0]  }
0x93: {  	v45 =	vor.u32 s23, v17;
	v30 =	vld [tilespmem:$0x1FEC0];
	[sflag:s15] =	ssyncadd.s32 $0xFFFFF000  }
0x94: {  	v0 =	vor.u32 s23, v11;
	v1 =	vld.idx.msk [tilespmem:v1+s10+$0x0], $0xffff  }
0x95: {  	v42 =	vld.idx.msk [tilespmem:v42+s10+$0x0], $0xffff;
	v2 =	vor.u32 s23, v18  }
0x96: {  	v43 =	vld.idx.msk [tilespmem:v43+s10+$0x0], $0xffff;
	v10 =	vor.u32 s23, v13  }
0x97: {  	v44 =	vld.idx.msk [tilespmem:v44+s10+$0x0], $0xffff;
	v12 =	vor.u32 s23, v20  }
0x98: {  	v45 =	vld.idx.msk [tilespmem:v45+s10+$0x0], $0xffff;
	v35 =	vor.u32 s23, v22  }
0x99: {  	v0 =	vld.idx.msk [tilespmem:v0+s10+$0x0], $0xffff;
	v36 =	vor.u32 s23, v21  }
0x9a: {  	v37 =	vor.u32 s23, v24;
	v2 =	vld.idx.msk [tilespmem:v2+s10+$0x0], $0xffff  }
0x9b: {  	v38 =	vor.u32 s23, v26;
	v33 =	vld.idx.msk [tilespmem:v10+s10+$0x0], $0xffff  }
0x9c: {  	v39 =	vor.u32 s23, v28;
	v34 =	vld.idx.msk [tilespmem:v12+s10+$0x0], $0xffff  }
0x9d: {  	v40 =	vor.u32 s23, v23;
	v35 =	vld.idx.msk [tilespmem:v35+s10+$0x0], $0xffff  }
0x9e: {  	v41 =	vor.u32 s23, v30;
	v36 =	vld.idx.msk [tilespmem:v36+s10+$0x0], $0xffff  }
0x9f: {  	v37 =	vld.idx.msk [tilespmem:v37+s10+$0x0], $0xffff  }
0xa0: {  	v38 =	vld.idx.msk [tilespmem:v38+s10+$0x0], $0xffff  }
0xa1: {  	v39 =	vld.idx.msk [tilespmem:v39+s10+$0x0], $0xffff  }
0xa2: {  	v40 =	vld.idx.msk [tilespmem:v40+s10+$0x0], $0xffff  }
0xa3: {  	v41 =	vld.idx.msk [tilespmem:v41+s10+$0x0], $0xffff;
	_ =	sdelay $0x2  }
0xa4: {  	v62 =	vmax.f32 v42, v43;
	v14 =	vmax.f32 v44, v45;
	v56 =	vmax.f32 v1, v0  }
0xa5: {  	v57 =	vmax.f32 v2, v33;
	v58 =	vmax.f32 v34, v35;
	v59 =	vmax.f32 v36, v37  }
0xa6: {  	v4 =	vld [tilespmem:$0x1FED0];
	v60 =	vmax.f32 v38, v39;
	v61 =	vmax.f32 v40, v41;
	v56 =	vmax.f32 v56, v57  }
0xa7: {  	v58 =	vmax.f32 v58, v59;
	v25 =	vmax.f32 v60, v61;
	v57 =	vmax.f32 v62, v14  }
0xa8: {  	v6 =	vld [tilespmem:$0x1FEE0];
	v56 =	vmax.f32 v56, v58;
	v57 =	vmax.f32 v25, v57  }
0xa9: {  	v8 =	vld [tilespmem:$0x1FEF0];
	v56 =	vmax.f32 v56, v57  }
0xaa: {  	v47 =	vor.u32 s16, v11;
	vm10 =	veq.f32 v0, v56  }
0xab: {  	v46 =	vor.u32 s16, v9;
	v48 =	vor.u32 s16, v18;
	v31 =	vnsel vm10, $0x100000, v4  }
0xac: {  	v5 =	vld [tilespmem:$0x1FF40];
	vm11 =	veq.f32 v1, v56;
	vm12 =	veq.f32 v2, v56;
	v1 =	vmin.u32 v31, v3  }
0xad: {  	v7 =	vld [tilespmem:$0x1FF50];
	vm13 =	veq.f32 v33, v56;
	v10 =	vnsel vm12, $0x100000, v6;
	v1 =	vsel vm11, v1, v31  }
0xae: {  	v49 =	vor.u32 s16, v13;
	v12 =	vnsel vm13, $0x100000, v8;
	v1 =	vmin.u32 v1, v10;
	v10 =	vld [tilespmem:$0x1FF00]  }
0xaf: {  	v50 =	vor.u32 s16, v20;
	v1 =	vmin.u32 v1, v12;
	v12 =	vld [tilespmem:$0x1FF10]  }
0xb0: {  	v46 =	vld.idx.msk [tilespmem:v46+s10+$0x0], $0xffff  }
0xb1: {  	v47 =	vld.idx.msk [tilespmem:v47+s10+$0x0], $0xffff;
	v51 =	vor.u32 s16, v22  }
0xb2: {  	v52 =	vor.u32 s16, v21;
	v48 =	vld.idx.msk [tilespmem:v48+s10+$0x0], $0xffff;
	vm14 =	veq.f32 v34, v56  }
0xb3: {  	v53 =	vor.u32 s16, v24;
	v49 =	vld.idx.msk [tilespmem:v49+s10+$0x0], $0xffff;
	vm15 =	veq.f32 v35, v56;
	v14 =	vnsel vm14, $0x100000, v10  }
0xb4: {  	v32 =	vmovc v15;
	v50 =	vld.idx.msk [tilespmem:v50+s10+$0x0], $0xffff;
	v0 =	vor.u32 s16, v15;
	v1 =	vmin.u32 v1, v14;
	v15 =	vnsel vm15, $0x100000, v12  }
0xb5: {  	v54 =	vor.u32 s16, v26;
	v1 =	vmin.u32 v1, v15;
	v15 =	vld [tilespmem:$0x1FF30]  }
0xb6: {  	v51 =	vld.idx.msk [tilespmem:v51+s10+$0x0], $0xffff  }
0xb7: {  	v14 =	vld [tilespmem:$0x1FF20]  }
0xb8: {  	v55 =	vor.u32 s16, v28;
	v27 =	vmax.f32 v46, v47;
	v52 =	vld.idx.msk [tilespmem:v52+s10+$0x0], $0xffff  }
0xb9: {  	v53 =	vld.idx.msk [tilespmem:v53+s10+$0x0], $0xffff;
	v29 =	vmax.f32 v48, v49;
	v60 =	vor.u32 s16, v23;
	vm4 =	veq.f32 v36, v56  }
0xba: {  	v57 =	vmax.f32 v27, v29;
	v35 =	vld.idx.msk [tilespmem:v54+s10+$0x0], $0xffff;
	vm5 =	veq.f32 v37, v56;
	v25 =	vnsel vm4, $0x100000, v15  }
0xbb: {  	vm6 =	veq.f32 v38, v56;
	v27 =	vnsel vm5, $0x100000, v5;
	v1 =	vmin.u32 v1, v25;
	v25 =	vld [tilespmem:$0x1FF60]  }
0xbc: {  	vm7 =	veq.f32 v39, v56;
	v29 =	vnsel vm6, $0x100000, v14;
	v1 =	vmin.u32 v1, v27;
	v27 =	vld [tilespmem:$0x1FF70]  }
0xbd: {  	v2 =	vor.u32 s16, v17;
	v31 =	vnsel vm7, $0x100000, v7;
	v1 =	vmin.u32 v1, v29;
	v29 =	vld [tilespmem:$0x1FF80]  }
0xbe: {  	v59 =	vor.u32 s16, v19;
	v1 =	vmin.u32 v1, v31;
	v31 =	vld [tilespmem:$0x1FF90]  }
0xbf: {  	v62 =	vor.u32 s16, v16;
	vm8 =	veq.f32 v40, v56;
	v33 =	vld [tilespmem:$0x1FFA0]  }
0xc0: {  	v58 =	vor.u32 s16, v30;
	v36 =	vld.idx.msk [tilespmem:v55+s10+$0x0], $0xffff;
	vm9 =	veq.f32 v41, v56;
	v54 =	vnsel vm8, $0x100000, v25  }
0xc1: {  	vm10 =	veq.f32 v42, v56;
	v37 =	vld.idx.msk [tilespmem:v60+s10+$0x0], $0xffff;
	v1 =	vmin.u32 v1, v54;
	v55 =	vnsel vm9, $0x100000, v27  }
0xc2: {  	vm11 =	veq.f32 v43, v56;
	v34 =	vld.idx.msk [tilespmem:v2+s10+$0x0], $0xffff;
	v1 =	vmin.u32 v1, v55;
	v2 =	vnsel vm10, $0x100000, v29  }
0xc3: {  	vm12 =	veq.f32 v44, v56;
	v39 =	vld.idx.msk [tilespmem:v59+s10+$0x0], $0xffff;
	v1 =	vmin.u32 v1, v2;
	v2 =	vnsel vm11, $0x100000, v31  }
0xc4: {  	v0 =	vld.idx.msk [tilespmem:v0+s10+$0x0], $0xffff;
	v1 =	vmin.u32 v1, v2;
	v2 =	vnsel vm12, $0x100000, v33  }
0xc5: {  	v1 =	vmin.u32 v1, v2;
	v2 =	vld [tilespmem:$0x1FFB0]  }
0xc6: {  	s29 =	simm.s32 $0x300;
	v61 =	vmax.f32 v50, v51;
	v40 =	vld.idx.msk [tilespmem:v62+s10+$0x0], $0xffff  }
0xc7: {  	s24 =	simm.s32 $0x200;
	vm13 =	veq.f32 v45, v56;
	v44 =	vor.u32 s29, v11;
	v38 =	vld.idx.msk [tilespmem:v58+s10+$0x0], $0xffff;
	v56 =	vmax.f32 v52, v53  }
0xc8: {  	v60 =	vor.u32 s24, v9;
	v43 =	vor.u32 s29, v9;
	v41 =	vmax.f32 v61, v56  }
0xc9: {  	v61 =	vor.u32 s24, v18;
	v56 =	vor.u32 s24, v13;
	v41 =	vmax.f32 v57, v41  }
0xca: {  	v57 =	vor.u32 s29, v20;
	v58 =	vmax.f32 v39, v0;
	v2 =	vnsel vm13, $0x100000, v2  }
0xcb: {  	v59 =	vmax.f32 v40, v34;
	v54 =	vor.u32 s29, v18;
	v1 =	vmin.u32 v1, v2  }
0xcc: {  	v55 =	vor.u32 s29, v13;
	v2 =	vmax.f32 v37, v38;
	[tilespmem:$0x1FE00] =	vst v1;
	v1 =	vmax.f32 v35, v36  }
0xcd: {  	v1 =	vmax.f32 v1, v2;
	v2 =	vmax.f32 v58, v59;
	v58 =	vor.u32 s24, v20  }
0xce: {  	v42 =	vld.idx.msk [tilespmem:v60+s10+$0x0], $0xffff;
	v59 =	vor.u32 s24, v21;
	v60 =	vor.u32 s24, v26;
	v1 =	vmax.f32 v1, v2  }
0xcf: {  	v45 =	vld.idx.msk [tilespmem:v61+s10+$0x0], $0xffff;
	v61 =	vor.u32 s24, v28;
	v2 =	vor.u32 s24, v11;
	v41 =	vmax.f32 v41, v1  }
0xd0: {  	v1 =	vor.u32 s24, v22;
	vm14 =	veq.f32 v47, v41;
	v47 =	vor.u32 s24, v24  }
0xd1: {  	vm15 =	veq.f32 v46, v41;
	vm4 =	veq.f32 v48, v41;
	vm5 =	veq.f32 v49, v41  }
0xd2: {  	v56 =	vld.idx.msk [tilespmem:v56+s10+$0x0], $0xffff;
	v49 =	vor.u32 s24, v30;
	vm6 =	veq.f32 v50, v41;
	vm7 =	veq.f32 v51, v41  }
0xd3: {  	v51 =	vor.u32 s24, v32;
	vm8 =	veq.f32 v52, v41;
	v46 =	vnsel vm14, $0x100000, v4;
	v50 =	vld.idx.msk [tilespmem:v59+s10+$0x0], $0xffff  }
0xd4: {  	vm9 =	veq.f32 v53, v41;
	vm10 =	veq.f32 v35, v41;
	v48 =	vmin.u32 v46, v3;
	v61 =	vld.idx.msk [tilespmem:v61+s10+$0x0], $0xffff  }
0xd5: {  	vm11 =	veq.f32 v36, v41;
	v46 =	vsel vm15, v48, v46;
	v48 =	vld.idx.msk [tilespmem:v58+s10+$0x0], $0xffff;
	v58 =	vor.u32 s24, v23  }
0xd6: {  	vm12 =	veq.f32 v37, v41;
	vm13 =	veq.f32 v38, v41;
	v38 =	vor.u32 s29, v24;
	v2 =	vld.idx.msk [tilespmem:v2+s10+$0x0], $0xffff  }
0xd7: {  	vm2 =	veq.f32 v0, v41;
	vm0 =	veq.f32 v34, v41;
	v62 =	vnsel vm4, $0x100000, v6;
	v63 =	vld.idx.msk [tilespmem:v1+s10+$0x0], $0xffff  }
0xd8: {  	v52 =	vnsel vm7, $0x100000, v12;
	v59 =	vor.u32 s24, v19;
	v1 =	vmin.u32 v46, v62;
	v46 =	vld.idx.msk [tilespmem:v60+s10+$0x0], $0xffff  }
0xd9: {  	v35 =	vnsel vm10, $0x100000, v14;
	v62 =	vnsel vm5, $0x100000, v8;
	v60 =	vor.u32 s24, v16;
	v47 =	vld.idx.msk [tilespmem:v47+s10+$0x0], $0xffff  }
0xda: {  	v1 =	vmin.u32 v1, v62;
	v62 =	vnsel vm6, $0x100000, v10;
	v53 =	vld.idx.msk [tilespmem:v58+s10+$0x0], $0xffff;
	v58 =	vor.u32 s24, v17  }
0xdb: {  	vm14 =	veq.f32 v39, v41;
	vm15 =	veq.f32 v40, v41;
	v49 =	vld.idx.msk [tilespmem:v49+s10+$0x0], $0xffff;
	v1 =	vmin.u32 v1, v62  }
0xdc: {  	v40 =	vmax.f32 v45, v56;
	v51 =	vld.idx.msk [tilespmem:v51+s10+$0x0], $0xffff;
	v62 =	vnsel vm8, $0x100000, v15;
	v1 =	vmin.u32 v1, v52  }
0xdd: {  	v41 =	vor.u32 s29, v19;
	v52 =	vnsel vm9, $0x100000, v5;
	v59 =	vld.idx.msk [tilespmem:v59+s10+$0x0], $0xffff;
	v1 =	vmin.u32 v1, v62  }
0xde: {  	v62 =	vor.u32 s29, v22;
	v39 =	vmax.f32 v42, v2;
	v1 =	vmin.u32 v1, v52;
	v37 =	vld.idx.msk [tilespmem:v60+s10+$0x0], $0xffff  }
0xdf: {  	v52 =	vor.u32 s29, v21;
	v1 =	vmin.u32 v1, v35;
	v35 =	vnsel vm11, $0x100000, v7;
	v58 =	vld.idx.msk [tilespmem:v58+s10+$0x0], $0xffff  }
0xe0: {  	v0 =	vld.idx.msk [tilespmem:v44+s10+$0x0], $0xffff;
	v60 =	vnsel vm12, $0x100000, v25;
	v44 =	vmax.f32 v48, v63;
	v1 =	vmin.u32 v1, v35  }
0xe1: {  	v39 =	vmax.f32 v39, v40;
	v35 =	vmin.u32 v1, v60;
	v60 =	vnsel vm13, $0x100000, v27;
	v1 =	vld.idx.msk [tilespmem:v43+s10+$0x0], $0xffff  }
0xe2: {  	v43 =	vld.idx.msk [tilespmem:v54+s10+$0x0], $0xffff;
	v54 =	vmax.f32 v50, v47;
	v36 =	vmin.u32 v35, v60;
	v60 =	vmax.f32 v46, v61  }
0xe3: {  	v35 =	vld.idx.msk [tilespmem:v55+s10+$0x0], $0xffff;
	v40 =	vmax.f32 v53, v49;
	v44 =	vmax.f32 v44, v54;
	v54 =	vmax.f32 v59, v51  }
0xe4: {  	v55 =	vor.u32 s29, v26;
	v40 =	vmax.f32 v60, v40;
	v60 =	vmax.f32 v37, v58  }
0xe5: {  	v39 =	vmax.f32 v39, v44;
	v54 =	vmax.f32 v54, v60;
	v60 =	vnsel vm14, $0x100000, v29  }
0xe6: {  	v44 =	vor.u32 s29, v28;
	v40 =	vmax.f32 v40, v54;
	v36 =	vmin.u32 v36, v60  }
0xe7: {  	v60 =	vnsel vm2, $0x100000, v31;
	v54 =	vor.u32 s29, v30;
	v39 =	vmax.f32 v39, v40  }
0xe8: {  	v40 =	vmax.f32 v1, v0;
	v36 =	vmin.u32 v36, v60;
	v60 =	vmax.f32 v43, v35  }
0xe9: {  	vm5 =	veq.f32 v2, v39;
	v2 =	vor.u32 s29, v23;
	v40 =	vmax.f32 v40, v60  }
0xea: {  	vm6 =	veq.f32 v42, v39;
	vm3 =	veq.f32 v45, v39;
	v45 =	vor.u32 s29, v32  }
0xeb: {  	vm7 =	veq.f32 v56, v39;
	vm8 =	veq.f32 v48, v39;
	v48 =	vor.u32 s29, v17  }
0xec: {  	vm9 =	veq.f32 v63, v39;
	vm10 =	veq.f32 v50, v39;
	vm11 =	veq.f32 v47, v39  }
0xed: {  	vm12 =	veq.f32 v46, v39;
	vm13 =	veq.f32 v61, v39;
	vm14 =	veq.f32 v53, v39  }
0xee: {  	v60 =	vld.idx.msk [tilespmem:v62+s10+$0x0], $0xffff;
	vm4 =	veq.f32 v59, v39;
	v34 =	vnsel vm5, $0x100000, v4;
	v62 =	vnsel vm3, $0x100000, v6  }
0xef: {  	v47 =	vld.idx.msk [tilespmem:v55+s10+$0x0], $0xffff;
	v56 =	vnsel vm8, $0x100000, v10;
	v63 =	vnsel vm9, $0x100000, v12;
	v55 =	vnsel vm11, $0x100000, v5  }
0xf0: {  	s30 =	simm.s32 $0x400;
	v38 =	vld.idx.msk [tilespmem:v38+s10+$0x0], $0xffff;
	v46 =	vnsel vm12, $0x100000, v14;
	vm5 =	veq.f32 v51, v39;
	v42 =	vmin.u32 v34, v3  }
0xf1: {  	v52 =	vld.idx.msk [tilespmem:v52+s10+$0x0], $0xffff;
	v51 =	vor.u32 s30, v18;
	v59 =	vnsel vm5, $0x100000, v31;
	v34 =	vsel vm6, v42, v34  }
0xf2: {  	v44 =	vld.idx.msk [tilespmem:v44+s10+$0x0], $0xffff;
	v42 =	vor.u32 s29, v16;
	v34 =	vmin.u32 v34, v62;
	v62 =	vnsel vm7, $0x100000, v8  }
0xf3: {  	v57 =	vld.idx.msk [tilespmem:v57+s10+$0x0], $0xffff;
	vm6 =	veq.f32 v37, v39;
	v37 =	vor.u32 s30, v11;
	v34 =	vmin.u32 v34, v62  }
0xf4: {  	v50 =	vld.idx.msk [tilespmem:v54+s10+$0x0], $0xffff;
	v54 =	vor.u32 s30, v20;
	vm7 =	veq.f32 v58, v39;
	v34 =	vmin.u32 v34, v56  }
0xf5: {  	v41 =	vld.idx.msk [tilespmem:v41+s10+$0x0], $0xffff;
	v62 =	vnsel vm15, $0x100000, v33;
	v34 =	vmin.u32 v34, v63;
	v63 =	vnsel vm10, $0x100000, v15  }
0xf6: {  	v2 =	vld.idx.msk [tilespmem:v2+s10+$0x0], $0xffff;
	vm15 =	veq.f32 v49, v39;
	v39 =	vor.u32 s30, v13;
	v34 =	vmin.u32 v34, v63  }
0xf7: {  	v45 =	vld.idx.msk [tilespmem:v45+s10+$0x0], $0xffff;
	v49 =	vmax.f32 v52, v38;
	v53 =	vmax.f32 v47, v44;
	v34 =	vmin.u32 v34, v55  }
0xf8: {  	v48 =	vld.idx.msk [tilespmem:v48+s10+$0x0], $0xffff;
	v56 =	vmax.f32 v57, v60;
	v63 =	vnsel vm13, $0x100000, v7;
	v34 =	vmin.u32 v34, v46  }
0xf9: {  	v61 =	vnsel vm15, $0x100000, v27;
	v42 =	vld.idx.msk [tilespmem:v42+s10+$0x0], $0xffff;
	v55 =	vnsel vm14, $0x100000, v25;
	v34 =	vmin.u32 v34, v63  }
0xfa: {  	v36 =	vmin.u32 v36, v62;
	v63 =	vor.u32 s30, v9;
	v34 =	vmin.u32 v34, v55  }
0xfb: {  	v62 =	vnsel vm4, $0x100000, v29;
	v49 =	vmax.f32 v56, v49;
	v34 =	vmin.u32 v34, v61  }
0xfc: {  	v56 =	vor.u32 s30, v21;
	v40 =	vmax.f32 v40, v49;
	v34 =	vmin.u32 v34, v62  }
0xfd: {  	v58 =	vmax.f32 v41, v45;
	v61 =	vnsel vm6, $0x100000, v33;
	v34 =	vmin.u32 v34, v59  }
0xfe: {  	v55 =	vmax.f32 v2, v50;
	v34 =	vmin.u32 v34, v61;
	v61 =	vmax.f32 v42, v48  }
0xff: {  	v53 =	vmax.f32 v53, v55;
	v59 =	vor.u32 s30, v22;
	v46 =	vld.idx.msk [tilespmem:v63+s10+$0x0], $0xffff;
	v55 =	vmax.f32 v58, v61  }
0x100: {  	s31 =	simm.s32 $0x500;
	v63 =	vld [tilespmem:$0x1FFB0];
	v61 =	vor.u32 s30, v24;
	v49 =	vmax.f32 v53, v55;
	v53 =	vor.u32 s30, v26  }
0x101: {  	v55 =	vld.idx.msk [tilespmem:v56+s10+$0x0], $0xffff;
	v56 =	vor.u32 s30, v30;
	v26 =	vor.u32 s31, v26;
	v40 =	vmax.f32 v40, v49  }
0x102: {  	v49 =	vld.idx.msk [tilespmem:v54+s10+$0x0], $0xffff;
	v54 =	vor.u32 s30, v28;
	v28 =	vor.u32 s31, v28;
	vm8 =	veq.f32 v0, v40  }
0x103: {  	vm9 =	veq.f32 v1, v40;
	vm10 =	veq.f32 v43, v40;
	vm11 =	veq.f32 v35, v40  }
0x104: {  	vm12 =	veq.f32 v57, v40;
	vm13 =	veq.f32 v60, v40;
	vm14 =	veq.f32 v52, v40  }
0x105: {  	vm15 =	veq.f32 v38, v40;
	vm4 =	veq.f32 v47, v40;
	vm5 =	veq.f32 v44, v40  }
0x106: {  	v37 =	vld.idx.msk [tilespmem:v37+s10+$0x0], $0xffff;
	vm6 =	veq.f32 v2, v40;
	vm2 =	veq.f32 v42, v40;
	vm1 =	veq.f32 v48, v40  }
0x107: {  	v39 =	vld.idx.msk [tilespmem:v39+s10+$0x0], $0xffff;
	v62 =	vnsel vm7, $0x100000, v63;
	v1 =	vnsel vm8, $0x100000, v4;
	v60 =	vnsel vm12, $0x100000, v10  }
0x108: {  	v58 =	vld.idx.msk [tilespmem:v51+s10+$0x0], $0xffff;
	v52 =	vnsel vm13, $0x100000, v12;
	v51 =	vmin.u32 v34, v62;
	v34 =	vor.u32 s30, v23  }
0x109: {  	v0 =	vld.idx.msk [tilespmem:v59+s10+$0x0], $0xffff;
	v38 =	vnsel vm15, $0x100000, v5;
	v47 =	vnsel vm4, $0x100000, v14;
	v2 =	vnsel vm5, $0x100000, v7  }
0x10a: {  	vm7 =	veq.f32 v50, v40;
	v43 =	vmin.u32 v1, v3;
	v59 =	vld.idx.msk [tilespmem:v61+s10+$0x0], $0xffff;
	v61 =	vor.u32 s30, v19  }
0x10b: {  	v62 =	vnsel vm10, $0x100000, v6;
	v1 =	vsel vm9, v43, v1;
	v43 =	vld.idx.msk [tilespmem:v53+s10+$0x0], $0xffff;
	v53 =	vor.u32 s30, v32  }
0x10c: {  	v1 =	vmin.u32 v1, v62;
	v35 =	vld.idx.msk [tilespmem:v54+s10+$0x0], $0xffff;
	v54 =	vor.u32 s30, v16;
	v62 =	vnsel vm11, $0x100000, v8  }
0x10d: {  	vm8 =	veq.f32 v41, v40;
	v1 =	vmin.u32 v1, v62;
	v57 =	vld.idx.msk [tilespmem:v34+s10+$0x0], $0xffff;
	v34 =	vor.u32 s30, v17  }
0x10e: {  	vm10 =	veq.f32 v45, v40;
	v45 =	vor.u32 s31, v13;
	v56 =	vld.idx.msk [tilespmem:v56+s10+$0x0], $0xffff;
	v1 =	vmin.u32 v1, v60  }
0x10f: {  	v13 =	vor.u32 s31, v21;
	v62 =	vnsel vm14, $0x100000, v15;
	v60 =	vld.idx.msk [tilespmem:v61+s10+$0x0], $0xffff;
	v1 =	vmin.u32 v1, v52  }
0x110: {  	v21 =	vnsel vm10, $0x100000, v31;
	v61 =	vmax.f32 v58, v39;
	v53 =	vld.idx.msk [tilespmem:v53+s10+$0x0], $0xffff;
	v1 =	vmin.u32 v1, v62  }
0x111: {  	v41 =	vmax.f32 v55, v59;
	v52 =	vld.idx.msk [tilespmem:v54+s10+$0x0], $0xffff;
	v1 =	vmin.u32 v1, v38;
	v38 =	vmax.f32 v49, v0  }
0x112: {  	v44 =	vmax.f32 v43, v35;
	v1 =	vmin.u32 v1, v47;
	v38 =	vmax.f32 v38, v41;
	v54 =	vld.idx.msk [tilespmem:v34+s10+$0x0], $0xffff  }
0x113: {  	v41 =	vor.u32 s31, v11;
	v47 =	vnsel vm7, $0x100000, v27;
	v11 =	vor.u32 s31, v22  }
0x114: {  	v22 =	vor.u32 s31, v24;
	v1 =	vmin.u32 v1, v2;
	v2 =	vmax.f32 v46, v37  }
0x115: {  	v62 =	vmax.f32 v57, v56;
	v2 =	vmax.f32 v2, v61;
	v50 =	vmax.f32 v60, v53  }
0x116: {  	v62 =	vmax.f32 v44, v62;
	v2 =	vmax.f32 v2, v38;
	v44 =	vnsel vm6, $0x100000, v25  }
0x117: {  	v38 =	vor.u32 s31, v9;
	v1 =	vmin.u32 v1, v44;
	v61 =	vmax.f32 v52, v54  }
0x118: {  	v9 =	vnsel vm8, $0x100000, v29;
	v1 =	vmin.u32 v1, v47;
	v48 =	vld.idx.msk [tilespmem:v41+s10+$0x0], $0xffff;
	v34 =	vmax.f32 v50, v61  }
0x119: {  	v41 =	vld.idx.msk [tilespmem:v11+s10+$0x0], $0xffff;
	v11 =	vor.u32 s31, v19;
	v1 =	vmin.u32 v1, v9;
	v34 =	vmax.f32 v62, v34  }
0x11a: {  	v9 =	vor.u32 s31, v30;
	v1 =	vmin.u32 v1, v21;
	v2 =	vmax.f32 v2, v34  }
0x11b: {  	v21 =	vor.u32 s31, v16;
	v62 =	vor.u32 s31, v20;
	vm9 =	veq.f32 v37, v2  }
0x11c: {  	v37 =	vor.u32 s31, v18;
	vm11 =	veq.f32 v46, v2;
	vm12 =	veq.f32 v58, v2  }
0x11d: {  	v45 =	vld.idx.msk [tilespmem:v45+s10+$0x0], $0xffff;
	vm13 =	veq.f32 v39, v2;
	vm14 =	veq.f32 v49, v2;
	vm15 =	veq.f32 v0, v2  }
0x11e: {  	v40 =	vld.idx.msk [tilespmem:v22+s10+$0x0], $0xffff;
	v0 =	vor.u32 s31, v23;
	vm6 =	veq.f32 v55, v2;
	vm7 =	veq.f32 v59, v2  }
0x11f: {  	v34 =	vld.idx.msk [tilespmem:v38+s10+$0x0], $0xffff;
	vm8 =	veq.f32 v43, v2;
	vm10 =	veq.f32 v57, v2;
	v23 =	vor.u32 s31, v17  }
0x120: {  	v47 =	vld.idx.msk [tilespmem:v11+s10+$0x0], $0xffff;
	v50 =	vnsel vm9, $0x100000, v4;
	v24 =	vnsel vm12, $0x100000, v6;
	v39 =	vnsel vm13, $0x100000, v8  }
0x121: {  	v43 =	vld.idx.msk [tilespmem:v26+s10+$0x0], $0xffff;
	vm9 =	veq.f32 v35, v2;
	vm12 =	veq.f32 v60, v2;
	v61 =	vmin.u32 v50, v3  }
0x122: {  	vm13 =	veq.f32 v53, v2;
	v22 =	vnsel vm9, $0x100000, v7;
	v3 =	vld [tilespmem:$0x1FE00];
	v44 =	vsel vm11, v61, v50  }
0x123: {  	v30 =	vnsel vm13, $0x100000, v31;
	v61 =	vnsel vm14, $0x100000, v10;
	v50 =	vld.idx.msk [tilespmem:v21+s10+$0x0], $0xffff;
	v38 =	vmin.u32 v44, v24  }
0x124: {  	v10 =	vnsel vm6, $0x100000, v15;
	v15 =	vnsel vm8, $0x100000, v14;
	v49 =	vld.idx.msk [tilespmem:v37+s10+$0x0], $0xffff;
	v58 =	vmin.u32 v38, v39  }
0x125: {  	vm11 =	veq.f32 v56, v2;
	v39 =	vld.idx.msk [tilespmem:v62+s10+$0x0], $0xffff;
	v62 =	vnsel vm15, $0x100000, v12;
	v37 =	vmin.u32 v58, v61  }
0x126: {  	vm14 =	veq.f32 v52, v2;
	v38 =	vmin.u32 v37, v62;
	v37 =	vld.idx.msk [tilespmem:v13+s10+$0x0], $0xffff;
	v13 =	vor.u32 s31, v32  }
0x127: {  	v24 =	vnsel vm10, $0x100000, v25;
	v12 =	vnsel vm7, $0x100000, v5;
	v46 =	vld.idx.msk [tilespmem:v0+s10+$0x0], $0xffff;
	v38 =	vmin.u32 v38, v10  }
0x128: {  	v25 =	vmax.f32 v34, v48;
	v35 =	vld.idx.msk [tilespmem:v23+s10+$0x0], $0xffff;
	vm15 =	veq.f32 v54, v2;
	v42 =	vmin.u32 v38, v12  }
0x129: {  	v26 =	vnsel vm11, $0x100000, v27;
	v58 =	vnsel vm15, $0x100000, v63;
	v38 =	vld.idx.msk [tilespmem:v28+s10+$0x0], $0xffff;
	v42 =	vmin.u32 v42, v15  }
0x12a: {  	v28 =	vnsel vm12, $0x100000, v29;
	v29 =	vnsel vm2, $0x100000, v33;
	v0 =	vmin.u32 v42, v22;
	v42 =	vld.idx.msk [tilespmem:v9+s10+$0x0], $0xffff  }
0x12b: {  	v33 =	vnsel vm14, $0x100000, v33;
	v27 =	vmax.f32 v49, v45;
	v0 =	vmin.u32 v0, v24;
	v44 =	vld.idx.msk [tilespmem:v13+s10+$0x0], $0xffff  }
0x12c: {  	v2 =	vld.idx.msk [tilespmem:v51+s16+$0x0], $0xffff;
	v57 =	vmax.f32 v39, v41;
	v7 =	vmin.u32 v1, v29;
	v0 =	vmin.u32 v0, v26  }
0x12d: {  	v31 =	vld.idx.msk [tilespmem:v3+s16+$0x0], $0xffff;
	v62 =	vmax.f32 v50, v35;
	v1 =	vmax.f32 v37, v40;
	v0 =	vmin.u32 v0, v28  }
0x12e: {  	v56 =	vmax.f32 v25, v27;
	v1 =	vmax.f32 v57, v1;
	v0 =	vmin.u32 v0, v30  }
0x12f: {  	v59 =	vmax.f32 v43, v38;
	v0 =	vmin.u32 v0, v33;
	v60 =	vmax.f32 v46, v42  }
0x130: {  	s24 =	simm.s32 $0x21B0;
	v0 =	vmin.u32 v0, v58;
	v61 =	vmax.f32 v47, v44;
	v52 =	vmax.f32 v59, v60  }
0x131: {  	s23 =	simm.s32 $0x2190;
	[tilespmem:s24+$0xFFFFFFF0] =	vst v2;
	v51 =	vmax.f32 v61, v62;
	v61 =	vmax.f32 v56, v1;
	v1 =	vnsel vm0, $0x100000, v63  }
0x132: {  	s26 =	simm.s32 $0x4;
	s28 =	simm.s32 $0x700;
	s25 =	simm.s32 $0x21B0;
	[tilespmem:s23+$0xFFFFFFF0] =	vst v31;
	v62 =	vmax.f32 v52, v51;
	v2 =	vmin.u32 v36, v1;
	v36 =	vnsel vm1, $0x100000, v63  }
.LBB2_2:
0x133: {  	v1 =	vld [tilespmem:$0x1FE10]  }
0x134: {  	[tilespmem:$0x1FDF0] =	vst v7;
	v7 =	vld [tilespmem:$0x1FE20]  }
0x135: {  	v8 =	vld [tilespmem:$0x1FE30]  }
0x136: {  	v9 =	vld [tilespmem:$0x1FE40]  }
0x137: {  	v10 =	vld [tilespmem:$0x1FE50]  }
0x138: {  	v0 =	vld.idx.msk [tilespmem:v0+s16+$0x0], $0xffff  }
0x139: {  	v12 =	vld [tilespmem:$0x1FE60]  }
0x13a: {  	v14 =	vld [tilespmem:$0x1FE70]  }
0x13b: {  	v18 =	vld [tilespmem:$0x1FE80]  }
0x13c: {  	v20 =	vld [tilespmem:$0x1FE90]  }
0x13d: {  	v21 =	vld [tilespmem:$0x1FEA0]  }
0x13e: {  	v16 =	vld [tilespmem:$0x1FEB0]  }
0x13f: {  	v2 =	vld.idx.msk [tilespmem:v2+s16+$0x0], $0xffff  }
0x140: {  	v17 =	vld [tilespmem:$0x1FEC0]  }
0x141: {  	v22 =	vld [tilespmem:$0x1FFD0]  }
0x142: {  	v23 =	vld [tilespmem:$0x1FFE0]  }
0x143: {  	s29 =	sadd.s32 $0xFFFFFF00, s28;
	v24 =	vld [tilespmem:$0x1FFF0];
	v51 =	vor.u32 s28, v1  }
0x144: {  	v33 =	vld [tilespmem:$0x1FED0];
	v52 =	vor.u32 s29, v1  }
0x145: {  	v15 =	vmax.f32 v61, v62;
	v31 =	vld [tilespmem:$0x1FEF0];
	v63 =	vor.u32 s29, v7  }
0x146: {  	v32 =	vld [tilespmem:$0x1FF00];
	vm14 =	veq.f32 v39, v15;
	v4 =	vor.u32 s28, v8  }
0x147: {  	v8 =	vor.u32 s29, v8;
	v53 =	vor.u32 s28, v22;
	v39 =	vor.u32 s29, v22;
	v22 =	vld [tilespmem:$0x1FF20]  }
0x148: {  	v5 =	vor.u32 s28, v9;
	v9 =	vor.u32 s29, v9;
	v11 =	vld.idx.msk [tilespmem:v51+s10+$0x0], $0xffff  }
0x149: {  	v6 =	vor.u32 s28, v10;
	v10 =	vor.u32 s29, v10;
	v55 =	vld.idx.msk [tilespmem:v52+s10+$0x0], $0xffff  }
0x14a: {  	s24 =	sadd.s32 $0x20, s24;
	vm15 =	veq.f32 v41, v15;
	v1 =	vor.u32 s28, v14;
	v13 =	vld.idx.msk [tilespmem:v63+s10+$0x0], $0xffff  }
0x14b: {  	v14 =	vor.u32 s29, v14;
	v41 =	vor.u32 s29, v23;
	v51 =	vor.u32 s28, v23;
	[tilespmem:s24+$0xFFFFFFF0] =	vst v0;
	v23 =	vld [tilespmem:$0x1FF40]  }
0x14c: {  	v61 =	vld.idx.msk [tilespmem:v8+s10+$0x0], $0xffff  }
0x14d: {  	v29 =	vor.u32 s29, v19;
	v62 =	vld.idx.msk [tilespmem:v9+s10+$0x0], $0xffff  }
0x14e: {  	v63 =	vld.idx.msk [tilespmem:v10+s10+$0x0], $0xffff  }
0x14f: {  	v59 =	vor.u32 s28, v20;
	v9 =	vor.u32 s29, v20;
	v20 =	vld [tilespmem:$0x1FEE0]  }
0x150: {  	v3 =	vor.u32 s28, v7;
	v7 =	vor.u32 s28, v12;
	v12 =	vor.u32 s29, v12;
	[tilespmem:s23+$0x0] =	vst v2;
	v2 =	vld.idx.msk [tilespmem:v14+s10+$0x0], $0xffff  }
0x151: {  	v58 =	vor.u32 s28, v21;
	v25 =	vor.u32 s29, v16;
	v10 =	vor.u32 s29, v21;
	v21 =	vld [tilespmem:$0x1FF10]  }
0x152: {  	vm1 =	veq.f32 v48, v15;
	v56 =	vor.u32 s28, v16;
	v16 =	vld.idx.msk [tilespmem:v29+s10+$0x0], $0xffff  }
0x153: {  	v60 =	vor.u32 s28, v18;
	v57 =	vor.u32 s28, v17;
	v26 =	vor.u32 s29, v17;
	v17 =	vld.idx.msk [tilespmem:v39+s10+$0x0], $0xffff  }
0x154: {  	v0 =	vlaneseq.u32;
	v8 =	vor.u32 s29, v18;
	v18 =	vnsel vm1, $0x100000, v33;
	v39 =	vld.idx.msk [tilespmem:v6+s10+$0x0], $0xffff  }
0x155: {  	vm0 =	veq.f32 v34, v15;
	v34 =	vmin.u32 v18, v0;
	v0 =	vld.idx.msk [tilespmem:v12+s10+$0x0], $0xffff  }
0x156: {  	v12 =	vld.idx.msk [tilespmem:v25+s10+$0x0], $0xffff  }
0x157: {  	v25 =	vld [tilespmem:$0x1FF50]  }
0x158: {  	v48 =	vsel vm0, v34, v18;
	v18 =	vld.idx.msk [tilespmem:v41+s10+$0x0], $0xffff  }
0x159: {  	v34 =	vmov v11;
	v11 =	vld.idx.msk [tilespmem:v26+s10+$0x0], $0xffff  }
0x15a: {  	vm12 =	veq.f32 v49, v15;
	vm13 =	veq.f32 v45, v15;
	vm4 =	veq.f32 v37, v15;
	v26 =	vld [tilespmem:$0x1FF70]  }
0x15b: {  	vm5 =	veq.f32 v40, v15;
	vm6 =	veq.f32 v43, v15;
	vm7 =	veq.f32 v38, v15;
	v8 =	vld.idx.msk [tilespmem:v8+s10+$0x0], $0xffff  }
0x15c: {  	vm8 =	veq.f32 v46, v15;
	vm9 =	veq.f32 v42, v15;
	v49 =	vnsel vm12, $0x100000, v20;
	v9 =	vld.idx.msk [tilespmem:v9+s10+$0x0], $0xffff  }
0x15d: {  	v52 =	vor.u32 s28, v24;
	v27 =	vmin.u32 v48, v49;
	v49 =	vor.u32 s29, v24;
	v24 =	vld [tilespmem:$0x1FF30]  }
0x15e: {  	vm10 =	veq.f32 v47, v15;
	vm11 =	veq.f32 v44, v15;
	v45 =	vnsel vm13, $0x100000, v31;
	v10 =	vld.idx.msk [tilespmem:v10+s10+$0x0], $0xffff  }
0x15f: {  	v54 =	vor.u32 s28, v19;
	v48 =	vld.idx.msk [tilespmem:v3+s10+$0x0], $0xffff;
	v14 =	vmin.u32 v27, v45;
	v27 =	vnsel vm14, $0x100000, v32  }
0x160: {  	v30 =	vnsel vm6, $0x100000, v22;
	v28 =	vnsel vm15, $0x100000, v21;
	v14 =	vmin.u32 v14, v27;
	v27 =	vld [tilespmem:$0x1FF60]  }
0x161: {  	vm0 =	veq.f32 v35, v15;
	v29 =	vnsel vm5, $0x100000, v23;
	v14 =	vmin.u32 v14, v28;
	v28 =	vld [tilespmem:$0x1FF80]  }
0x162: {  	vm12 =	veq.f32 v50, v15;
	v40 =	vnsel vm7, $0x100000, v25;
	v45 =	vld.idx.msk [tilespmem:v5+s10+$0x0], $0xffff;
	v37 =	vnsel vm4, $0x100000, v24  }
0x163: {  	v38 =	vmax.f32 v63, v0;
	v42 =	vnsel vm9, $0x100000, v26;
	v19 =	vld.idx.msk [tilespmem:v49+s10+$0x0], $0xffff;
	v14 =	vmin.u32 v14, v37  }
0x164: {  	v47 =	vmax.f32 v12, v11;
	v6 =	vmax.f32 v2, v8;
	v49 =	vld.idx.msk [tilespmem:v4+s10+$0x0], $0xffff;
	v14 =	vmin.u32 v14, v29  }
0x165: {  	v46 =	vmax.f32 v9, v10;
	v37 =	vmax.f32 v61, v62;
	v29 =	vld [tilespmem:$0x1FF90];
	v14 =	vmin.u32 v14, v30  }
0x166: {  	v41 =	vnsel vm8, $0x100000, v27;
	v43 =	vnsel vm10, $0x100000, v28;
	v30 =	vld [tilespmem:$0x1FFA0];
	v14 =	vmin.u32 v14, v40  }
0x167: {  	v3 =	vmin.u32 v14, v41;
	v14 =	vmax.f32 v55, v13;
	v41 =	vld.idx.msk [tilespmem:v7+s10+$0x0], $0xffff;
	v7 =	vmax.f32 v16, v17  }
0x168: {  	v50 =	vmax.f32 v18, v19;
	v3 =	vmin.u32 v3, v42;
	v14 =	vmax.f32 v14, v37  }
0x169: {  	v37 =	vld.idx.msk [tilespmem:v1+s10+$0x0], $0xffff;
	v1 =	vmax.f32 v38, v6;
	v6 =	vmax.f32 v46, v47;
	v7 =	vmax.f32 v7, v50  }
0x16a: {  	v3 =	vmin.u32 v3, v43;
	v4 =	vnsel vm11, $0x100000, v29;
	v1 =	vmax.f32 v14, v1  }
0x16b: {  	v6 =	vmax.f32 v6, v7;
	v7 =	vmax.f32 v34, v48;
	v5 =	vnsel vm12, $0x100000, v30  }
0x16c: {  	v1 =	vmax.f32 v1, v6;
	v6 =	vmax.f32 v49, v45;
	v3 =	vmin.u32 v3, v4  }
0x16d: {  	vm13 =	veq.f32 v13, v1;
	v4 =	vmax.f32 v7, v6;
	v3 =	vmin.u32 v3, v5  }
0x16e: {  	vm14 =	veq.f32 v55, v1;
	v5 =	vlaneseq.u32;
	v6 =	vnsel vm13, $0x100000, v33  }
0x16f: {  	vm2 =	veq.f32 v61, v1;
	vm15 =	veq.f32 v62, v1;
	v5 =	vmin.u32 v6, v5  }
0x170: {  	vm4 =	veq.f32 v63, v1;
	v5 =	vsel vm14, v5, v6;
	v6 =	vnsel vm2, $0x100000, v20  }
0x171: {  	v44 =	vld.idx.msk [tilespmem:v53+s10+$0x0], $0xffff;
	vm5 =	veq.f32 v0, v1;
	v5 =	vmin.u32 v5, v6;
	v6 =	vnsel vm15, $0x100000, v31  }
0x172: {  	v35 =	vld.idx.msk [tilespmem:v52+s10+$0x0], $0xffff;
	vm6 =	veq.f32 v2, v1;
	v5 =	vmin.u32 v5, v6;
	v6 =	vnsel vm4, $0x100000, v32  }
0x173: {  	v38 =	vld.idx.msk [tilespmem:v58+s10+$0x0], $0xffff;
	vm7 =	veq.f32 v8, v1;
	v0 =	vmin.u32 v5, v6;
	v5 =	vnsel vm5, $0x100000, v21  }
0x174: {  	v46 =	vld.idx.msk [tilespmem:v56+s10+$0x0], $0xffff;
	vm8 =	veq.f32 v9, v1;
	v2 =	vnsel vm6, $0x100000, v24;
	v0 =	vmin.u32 v0, v5  }
0x175: {  	v50 =	vld.idx.msk [tilespmem:v51+s10+$0x0], $0xffff;
	vm9 =	veq.f32 v10, v1;
	v0 =	vmin.u32 v0, v2;
	v2 =	vnsel vm7, $0x100000, v23  }
0x176: {  	v47 =	vld.idx.msk [tilespmem:v54+s10+$0x0], $0xffff;
	vm10 =	veq.f32 v12, v1;
	v0 =	vmin.u32 v0, v2;
	v2 =	vnsel vm8, $0x100000, v22  }
0x177: {  	v43 =	vld.idx.msk [tilespmem:v59+s10+$0x0], $0xffff;
	vm11 =	veq.f32 v11, v1;
	v0 =	vmin.u32 v0, v2;
	v2 =	vnsel vm9, $0x100000, v25  }
0x178: {  	v59 =	vld [tilespmem:$0x1FFB0];
	vm12 =	veq.f32 v16, v1;
	v0 =	vmin.u32 v0, v2;
	v2 =	vnsel vm10, $0x100000, v27  }
0x179: {  	v42 =	vld.idx.msk [tilespmem:v57+s10+$0x0], $0xffff;
	vm13 =	veq.f32 v17, v1;
	v0 =	vmin.u32 v0, v2;
	v2 =	vnsel vm11, $0x100000, v26  }
0x17a: {  	v8 =	vmax.f32 v50, v35;
	v0 =	vmin.u32 v0, v2;
	v2 =	vnsel vm12, $0x100000, v28  }
0x17b: {  	vm14 =	veq.f32 v18, v1;
	v0 =	vmin.u32 v0, v2;
	v2 =	vnsel vm13, $0x100000, v29  }
0x17c: {  	vm15 =	veq.f32 v19, v1;
	v0 =	vmin.u32 v0, v2;
	v2 =	vnsel vm14, $0x100000, v30  }
0x17d: {  	v1 =	vnsel vm15, $0x100000, v59;
	v6 =	vmax.f32 v47, v44;
	v0 =	vmin.u32 v0, v2  }
0x17e: {  	v40 =	vld.idx.msk [tilespmem:v60+s10+$0x0], $0xffff;
	v5 =	vmax.f32 v46, v42;
	v0 =	vmin.u32 v0, v1;
	v1 =	vmax.f32 v43, v38  }
0x17f: {  	s26 =	sadd.s32 $0x2, s26;
	v1 =	vmax.f32 v1, v5;
	v5 =	vmax.f32 v6, v8  }
0x180: {  	p0 =	slt.u32 s26, $0xE;
	v62 =	vmax.f32 v1, v5;
	v1 =	vld [tilespmem:$0x1FDF0]  }
.Ltmp0:
0x181: {  	_ = 	snop;
	(pc) =	sbr.rel @p0 .LBB2_2-.Ltmp0, $4  }
0x182: {  	v7 =	vmax.f32 v39, v41  }
0x183: {  	v2 =	vmax.f32 v37, v40  }
0x184: {  	v2 =	vmax.f32 v7, v2  }
0x185: {  	s23 =	smov.u32 s25;
	s25 =	smov.u32 s24;
	s28 =	sadd.s32 $0x200, s28;
	v19 =	vld [tilespmem:$0x1FFC0];
	v7 =	vmovc v3;
	v61 =	vmax.f32 v4, v2;
	v2 =	vmin.u32 v1, v36;
	v36 =	vnsel vm0, $0x100000, v59  }
0x186: {  	v1 =	vmax.f32 v61, v62  }
0x187: {  	vm0 =	veq.f32 v48, v1;
	v48 =	vld [tilespmem:$0x1FED0];
	_ =	sdelay $0x1  }
0x188: {  	vm1 =	veq.f32 v49, v1;
	v49 =	vld [tilespmem:$0x1FEE0]  }
0x189: {  	v54 =	vld [tilespmem:$0x1FEF0]  }
0x18a: {  	v55 =	vld [tilespmem:$0x1FF00]  }
0x18b: {  	v4 =	vlaneseq.u32;
	v56 =	vld [tilespmem:$0x1FF10];
	vm8 =	veq.f32 v34, v1;
	v3 =	vnsel vm0, $0x100000, v48  }
0x18c: {  	v57 =	vld [tilespmem:$0x1FF30];
	vm9 =	veq.f32 v45, v1;
	vm10 =	veq.f32 v39, v1;
	v4 =	vmin.u32 v3, v4  }
0x18d: {  	v58 =	vld [tilespmem:$0x1FF40];
	vm11 =	veq.f32 v41, v1;
	v5 =	vnsel vm1, $0x100000, v49;
	v3 =	vsel vm8, v4, v3  }
0x18e: {  	v59 =	vld [tilespmem:$0x1FF20];
	vm12 =	veq.f32 v37, v1;
	v28 =	vnsel vm9, $0x100000, v54;
	v3 =	vmin.u32 v3, v5  }
0x18f: {  	v60 =	vld [tilespmem:$0x1FF50];
	vm13 =	veq.f32 v40, v1;
	v29 =	vnsel vm10, $0x100000, v55;
	v3 =	vmin.u32 v3, v28  }
0x190: {  	v61 =	vld [tilespmem:$0x1FF60];
	vm14 =	veq.f32 v43, v1;
	v30 =	vnsel vm11, $0x100000, v56;
	v3 =	vmin.u32 v3, v29  }
0x191: {  	v62 =	vld [tilespmem:$0x1FF70];
	vm15 =	veq.f32 v38, v1;
	v31 =	vnsel vm12, $0x100000, v57;
	v3 =	vmin.u32 v3, v30  }
0x192: {  	v63 =	vld [tilespmem:$0x1FF80];
	vm4 =	veq.f32 v46, v1;
	v32 =	vnsel vm13, $0x100000, v58;
	v3 =	vmin.u32 v3, v31  }
0x193: {  	v20 =	vld [tilespmem:$0x1FF90];
	vm5 =	veq.f32 v42, v1;
	v33 =	vnsel vm14, $0x100000, v59;
	v3 =	vmin.u32 v3, v32  }
0x194: {  	v34 =	vnsel vm15, $0x100000, v60;
	vm8 =	veq.f32 v50, v1;
	v50 =	vld [tilespmem:$0x1FFA0];
	v3 =	vmin.u32 v3, v33  }
0x195: {  	vm6 =	veq.f32 v47, v1;
	v47 =	vld [tilespmem:$0x1FFB0];
	v37 =	vnsel vm4, $0x100000, v61;
	v3 =	vmin.u32 v3, v34  }
0x196: {  	v38 =	vnsel vm5, $0x100000, v62;
	v3 =	vmin.u32 v3, v37  }
0x197: {  	vm7 =	veq.f32 v44, v1;
	v39 =	vnsel vm6, $0x100000, v63;
	v3 =	vmin.u32 v3, v38  }
0x198: {  	v40 =	vnsel vm7, $0x100000, v20;
	v3 =	vmin.u32 v3, v39  }
0x199: {  	vm9 =	veq.f32 v35, v1;
	v41 =	vnsel vm8, $0x100000, v50;
	v3 =	vmin.u32 v3, v40  }
0x19a: {  	v42 =	vmin.u32 v7, v36;
	v1 =	vmin.u32 v3, v41;
	v3 =	vnsel vm9, $0x100000, v47  }
0x19b: {  	v1 =	vmin.u32 v1, v3;
	_ =	sdelay $0x1  }
0x19c: {  	v0 =	vld.idx.msk [tilespmem:v0+s16+$0x0], $0xffff  }
0x19d: {  	v2 =	vld.idx.msk [tilespmem:v2+s16+$0x0], $0xffff  }
0x19e: {  	v3 =	vld.idx.msk [tilespmem:v42+s16+$0x0], $0xffff  }
0x19f: {  	v1 =	vld.idx.msk [tilespmem:v1+s16+$0x0], $0xffff  }
0x1a0: {  	s24 =	sadd.s32 $0x20, s24  }
0x1a1: {  	[tilespmem:s24+$0xFFFFFFF0] =	vst v0  }
0x1a2: {  	[tilespmem:s23+$0x0] =	vst v2  }
0x1a3: {  	[tilespmem:s25+$0x0] =	vst v3  }
0x1a4: {  	[tilespmem:s24+$0x0] =	vst v1  }
0x1a5: {  	v21 =	vld [tilespmem:$0x1FE10];
	[hbm4b:s7+s4] =	stream.linear.scatter [tilespmem:s17], [sflag:$0x5], $0x100, $0x38  }
0x1a6: {  	v22 =	vld [tilespmem:$0x1FE20];
	_ =	swait.ge [sflag:s18], $0x1000  }
0x1a7: {  	v23 =	vld [tilespmem:$0x1FE30]  }
0x1a8: {  	v24 =	vld [tilespmem:$0x1FE40]  }
0x1a9: {  	v25 =	vld [tilespmem:$0x1FE50]  }
0x1aa: {  	v26 =	vld [tilespmem:$0x1FE60]  }
0x1ab: {  	v27 =	vld [tilespmem:$0x1FE70]  }
0x1ac: {  	v28 =	vld [tilespmem:$0x1FE80]  }
0x1ad: {  	v29 =	vld [tilespmem:$0x1FE90]  }
0x1ae: {  	s31 =	simm.s32 $0x1000;
	v30 =	vld [tilespmem:$0x1FEA0]  }
0x1af: {  	v12 =	vor.u32 s31, v19;
	v31 =	vld [tilespmem:$0x1FEB0]  }
0x1b0: {  	v32 =	vld [tilespmem:$0x1FEC0];
	v0 =	vor.u32 s31, v21  }
0x1b1: {  	v51 =	vld [tilespmem:$0x1FFD0];
	v1 =	vor.u32 s31, v22  }
0x1b2: {  	[sflag:s18] =	ssyncset.done $0x0;
	v52 =	vld [tilespmem:$0x1FFE0];
	v2 =	vor.u32 s31, v23  }
0x1b3: {  	v53 =	vld [tilespmem:$0x1FFF0];
	[sflag:s18] =	ssyncadd.s32 $0xFFFFF000;
	v3 =	vor.u32 s31, v24  }
0x1b4: {  	v12 =	vld.idx.msk [tilespmem:v12+s10+$0x0], $0xffff;
	v43 =	vor.u32 s31, v25  }
0x1b5: {  	v44 =	vor.u32 s31, v26;
	v0 =	vld.idx.msk [tilespmem:v0+s10+$0x0], $0xffff  }
0x1b6: {  	v6 =	vor.u32 s31, v27;
	v1 =	vld.idx.msk [tilespmem:v1+s10+$0x0], $0xffff  }
0x1b7: {  	v45 =	vor.u32 s31, v28;
	v2 =	vld.idx.msk [tilespmem:v2+s10+$0x0], $0xffff  }
0x1b8: {  	v8 =	vor.u32 s31, v29;
	v3 =	vld.idx.msk [tilespmem:v3+s10+$0x0], $0xffff  }
0x1b9: {  	v9 =	vor.u32 s31, v30;
	v4 =	vld.idx.msk [tilespmem:v43+s10+$0x0], $0xffff  }
0x1ba: {  	v10 =	vor.u32 s31, v31;
	v5 =	vld.idx.msk [tilespmem:v44+s10+$0x0], $0xffff  }
0x1bb: {  	v11 =	vor.u32 s31, v32;
	v6 =	vld.idx.msk [tilespmem:v6+s10+$0x0], $0xffff  }
0x1bc: {  	v13 =	vor.u32 s31, v51;
	v7 =	vld.idx.msk [tilespmem:v45+s10+$0x0], $0xffff  }
0x1bd: {  	v14 =	vor.u32 s31, v52;
	v8 =	vld.idx.msk [tilespmem:v8+s10+$0x0], $0xffff  }
0x1be: {  	v15 =	vor.u32 s31, v53;
	v9 =	vld.idx.msk [tilespmem:v9+s10+$0x0], $0xffff  }
0x1bf: {  	v10 =	vld.idx.msk [tilespmem:v10+s10+$0x0], $0xffff  }
0x1c0: {  	s25 =	simm.s32 $0x1100;
	v11 =	vld.idx.msk [tilespmem:v11+s10+$0x0], $0xffff  }
0x1c1: {  	v16 =	vor.u32 s25, v21;
	v13 =	vld.idx.msk [tilespmem:v13+s10+$0x0], $0xffff  }
0x1c2: {  	v17 =	vor.u32 s25, v22;
	v14 =	vld.idx.msk [tilespmem:v14+s10+$0x0], $0xffff  }
0x1c3: {  	v18 =	vor.u32 s25, v23;
	v15 =	vld.idx.msk [tilespmem:v15+s10+$0x0], $0xffff  }
0x1c4: {  	v19 =	vor.u32 s25, v24;
	v33 =	vor.u32 s25, v25;
	v34 =	vor.u32 s25, v26  }
0x1c5: {  	v35 =	vor.u32 s25, v27;
	v36 =	vor.u32 s25, v28;
	v37 =	vor.u32 s25, v29  }
0x1c6: {  	v16 =	vld.idx.msk [tilespmem:v16+s10+$0x0], $0xffff;
	v39 =	vmax.f32 v0, v1;
	v40 =	vmax.f32 v2, v3;
	v41 =	vmax.f32 v4, v5  }
0x1c7: {  	v17 =	vld.idx.msk [tilespmem:v17+s10+$0x0], $0xffff;
	v42 =	vmax.f32 v6, v7;
	v43 =	vmax.f32 v8, v9;
	v44 =	vmax.f32 v10, v11  }
0x1c8: {  	v45 =	vmax.f32 v12, v13;
	v46 =	vmax.f32 v14, v15;
	v39 =	vmax.f32 v39, v40  }
0x1c9: {  	v41 =	vmax.f32 v41, v42;
	v42 =	vmax.f32 v43, v44;
	v40 =	vmax.f32 v45, v46  }
0x1ca: {  	v38 =	vor.u32 s25, v30;
	v44 =	vld.idx.msk [tilespmem:v33+s10+$0x0], $0xffff;
	v33 =	vmax.f32 v39, v41;
	v45 =	vmax.f32 v42, v40  }
0x1cb: {  	v43 =	vor.u32 s25, v31;
	v40 =	vor.u32 s25, v32;
	v33 =	vmax.f32 v33, v45  }
0x1cc: {  	v45 =	vmax.f32 v16, v17;
	vm10 =	veq.f32 v1, v33;
	v1 =	vor.u32 s25, v51  }
0x1cd: {  	v18 =	vld.idx.msk [tilespmem:v18+s10+$0x0], $0xffff;
	vm11 =	veq.f32 v0, v33;
	v0 =	vlaneseq.u32;
	vm12 =	veq.f32 v2, v33  }
0x1ce: {  	v19 =	vld.idx.msk [tilespmem:v19+s10+$0x0], $0xffff;
	v2 =	vor.u32 s25, v53;
	vm13 =	veq.f32 v3, v33;
	vm14 =	veq.f32 v4, v33  }
0x1cf: {  	v46 =	vld [tilespmem:$0x1FFC0];
	vm15 =	veq.f32 v5, v33;
	vm4 =	veq.f32 v6, v33;
	vm5 =	veq.f32 v7, v33  }
0x1d0: {  	s29 =	simm.s32 $0x1300;
	v42 =	vld.idx.msk [tilespmem:v34+s10+$0x0], $0xffff;
	vm6 =	veq.f32 v8, v33;
	vm7 =	veq.f32 v9, v33;
	vm8 =	veq.f32 v10, v33  }
0x1d1: {  	s26 =	simm.s32 $0x1200;
	v4 =	vld.idx.msk [tilespmem:v36+s10+$0x0], $0xffff;
	vm9 =	veq.f32 v11, v33;
	v36 =	vor.u32 s29, v24;
	v34 =	vnsel vm10, $0x100000, v48  }
0x1d2: {  	v6 =	vld.idx.msk [tilespmem:v38+s10+$0x0], $0xffff;
	v38 =	vor.u32 s29, v25;
	v11 =	vor.u32 s26, v26;
	v0 =	vmin.u32 v34, v0  }
0x1d3: {  	v3 =	vnsel vm12, $0x100000, v49;
	vm10 =	veq.f32 v12, v33;
	v0 =	vsel vm11, v0, v34  }
0x1d4: {  	vm12 =	veq.f32 v14, v33;
	v0 =	vmin.u32 v0, v3;
	v3 =	vnsel vm13, $0x100000, v54  }
0x1d5: {  	v41 =	vor.u32 s25, v46;
	v0 =	vmin.u32 v0, v3;
	v3 =	vnsel vm14, $0x100000, v55  }
0x1d6: {  	v46 =	vmax.f32 v18, v19;
	v0 =	vmin.u32 v0, v3;
	v3 =	vnsel vm15, $0x100000, v56  }
0x1d7: {  	v35 =	vld.idx.msk [tilespmem:v35+s10+$0x0], $0xffff;
	v39 =	vmax.f32 v45, v46;
	v0 =	vmin.u32 v0, v3;
	v3 =	vnsel vm4, $0x100000, v57  }
0x1d8: {  	v5 =	vld.idx.msk [tilespmem:v37+s10+$0x0], $0xffff;
	v45 =	vor.u32 s25, v52;
	v0 =	vmin.u32 v0, v3;
	v3 =	vnsel vm5, $0x100000, v58  }
0x1d9: {  	v7 =	vld.idx.msk [tilespmem:v43+s10+$0x0], $0xffff;
	v46 =	vmax.f32 v44, v42;
	v0 =	vmin.u32 v0, v3;
	v3 =	vnsel vm6, $0x100000, v59  }
0x1da: {  	v8 =	vld.idx.msk [tilespmem:v40+s10+$0x0], $0xffff;
	vm11 =	veq.f32 v13, v33;
	v0 =	vmin.u32 v0, v3;
	v3 =	vnsel vm7, $0x100000, v60  }
0x1db: {  	vm13 =	veq.f32 v15, v33;
	v10 =	vld.idx.msk [tilespmem:v1+s10+$0x0], $0xffff;
	v1 =	vnsel vm8, $0x100000, v61;
	v0 =	vmin.u32 v0, v3  }
0x1dc: {  	v34 =	vld.idx.msk [tilespmem:v2+s10+$0x0], $0xffff;
	v2 =	vmax.f32 v35, v4;
	v0 =	vmin.u32 v0, v1;
	v1 =	vnsel vm9, $0x100000, v62  }
0x1dd: {  	v2 =	vmax.f32 v46, v2;
	v9 =	vld.idx.msk [tilespmem:v41+s10+$0x0], $0xffff;
	v0 =	vmin.u32 v0, v1;
	v1 =	vnsel vm10, $0x100000, v63  }
0x1de: {  	v3 =	vld.idx.msk [tilespmem:v45+s10+$0x0], $0xffff;
	v45 =	vor.u32 s26, v23;
	v0 =	vmin.u32 v0, v1;
	v1 =	vnsel vm11, $0x100000, v20  }
0x1df: {  	v46 =	vor.u32 s26, v24;
	v0 =	vmin.u32 v0, v1;
	v1 =	vnsel vm12, $0x100000, v50  }
0x1e0: {  	v12 =	vor.u32 s29, v21;
	v0 =	vmin.u32 v0, v1;
	v1 =	vnsel vm13, $0x100000, v47  }
0x1e1: {  	v43 =	vor.u32 s26, v21;
	v13 =	vor.u32 s29, v22;
	v0 =	vmin.u32 v0, v1  }
0x1e2: {  	v15 =	vor.u32 s29, v23;
	v33 =	vlaneseq.u32;
	v40 =	vmax.f32 v9, v10;
	[tilespmem:$0x1FDD0] =	vst v0  }
0x1e3: {  	v41 =	vmax.f32 v3, v34;
	v1 =	vmax.f32 v7, v8;
	v0 =	vmax.f32 v5, v6;
	v14 =	vld.idx.msk [tilespmem:v45+s10+$0x0], $0xffff  }
0x1e4: {  	v2 =	vmax.f32 v39, v2;
	v0 =	vmax.f32 v0, v1;
	v1 =	vmax.f32 v40, v41;
	v37 =	vld.idx.msk [tilespmem:v46+s10+$0x0], $0xffff  }
0x1e5: {  	v39 =	vor.u32 s26, v25;
	v11 =	vld.idx.msk [tilespmem:v11+s10+$0x0], $0xffff;
	v0 =	vmax.f32 v0, v1;
	v1 =	vor.u32 s26, v22  }
0x1e6: {  	v40 =	vor.u32 s26, v27;
	v41 =	vor.u32 s26, v29;
	v38 =	vld.idx.msk [tilespmem:v38+s10+$0x0], $0xffff;
	v0 =	vmax.f32 v2, v0  }
0x1e7: {  	v2 =	vld.idx.msk [tilespmem:v43+s10+$0x0], $0xffff;
	v43 =	vor.u32 s26, v30;
	vm14 =	veq.f32 v17, v0;
	vm15 =	veq.f32 v16, v0  }
0x1e8: {  	vm4 =	veq.f32 v18, v0;
	vm5 =	veq.f32 v19, v0;
	vm6 =	veq.f32 v44, v0;
	v44 =	vld [tilespmem:$0x1FFC0]  }
0x1e9: {  	v19 =	vor.u32 s26, v32;
	vm2 =	veq.f32 v10, v0;
	v10 =	vld.idx.msk [tilespmem:v13+s10+$0x0], $0xffff;
	v16 =	vnsel vm14, $0x100000, v48  }
0x1ea: {  	vm7 =	veq.f32 v42, v0;
	v18 =	vmin.u32 v16, v33;
	v17 =	vld.idx.msk [tilespmem:v1+s10+$0x0], $0xffff;
	v1 =	vor.u32 s26, v28  }
0x1eb: {  	v42 =	vor.u32 s26, v52;
	v16 =	vsel vm15, v18, v16;
	v18 =	vld.idx.msk [tilespmem:v39+s10+$0x0], $0xffff;
	v39 =	vor.u32 s26, v31  }
0x1ec: {  	vm8 =	veq.f32 v35, v0;
	vm9 =	veq.f32 v4, v0;
	vm10 =	veq.f32 v5, v0;
	v40 =	vld.idx.msk [tilespmem:v40+s10+$0x0], $0xffff  }
0x1ed: {  	v5 =	vor.u32 s29, v26;
	vm11 =	veq.f32 v6, v0;
	vm12 =	veq.f32 v7, v0;
	v41 =	vld.idx.msk [tilespmem:v41+s10+$0x0], $0xffff  }
0x1ee: {  	vm13 =	veq.f32 v8, v0;
	v45 =	vnsel vm4, $0x100000, v49;
	v43 =	vld.idx.msk [tilespmem:v43+s10+$0x0], $0xffff;
	v44 =	vor.u32 s26, v44  }
0x1ef: {  	v16 =	vmin.u32 v16, v45;
	v45 =	vnsel vm5, $0x100000, v54;
	v46 =	vld.idx.msk [tilespmem:v1+s10+$0x0], $0xffff;
	v1 =	vor.u32 s26, v51  }
0x1f0: {  	v16 =	vmin.u32 v16, v45;
	v45 =	vnsel vm6, $0x100000, v55;
	v4 =	vld.idx.msk [tilespmem:v39+s10+$0x0], $0xffff;
	v39 =	vor.u32 s26, v53  }
0x1f1: {  	v6 =	vor.u32 s29, v28;
	v47 =	vnsel vm7, $0x100000, v56;
	v19 =	vld.idx.msk [tilespmem:v19+s10+$0x0], $0xffff;
	v16 =	vmin.u32 v16, v45  }
0x1f2: {  	vm0 =	veq.f32 v34, v0;
	v7 =	vld.idx.msk [tilespmem:v42+s10+$0x0], $0xffff;
	v45 =	vnsel vm8, $0x100000, v57;
	v16 =	vmin.u32 v16, v47  }
0x1f3: {  	v35 =	vnsel vm10, $0x100000, v59;
	v47 =	vnsel vm9, $0x100000, v58;
	v16 =	vmin.u32 v16, v45;
	v44 =	vld.idx.msk [tilespmem:v44+s10+$0x0], $0xffff  }
0x1f4: {  	vm14 =	veq.f32 v9, v0;
	vm15 =	veq.f32 v3, v0;
	v16 =	vmin.u32 v16, v47;
	v47 =	vld.idx.msk [tilespmem:v1+s10+$0x0], $0xffff  }
0x1f5: {  	v3 =	vmax.f32 v2, v17;
	v1 =	vmin.u32 v16, v35;
	v35 =	vnsel vm11, $0x100000, v60;
	v8 =	vld.idx.msk [tilespmem:v39+s10+$0x0], $0xffff  }
0x1f6: {  	v13 =	vld.idx.msk [tilespmem:v15+s10+$0x0], $0xffff;
	v15 =	vmax.f32 v18, v11;
	v16 =	vnsel vm12, $0x100000, v61;
	v1 =	vmin.u32 v1, v35  }
0x1f7: {  	v42 =	vmax.f32 v41, v43;
	v39 =	vnsel vm13, $0x100000, v62;
	v35 =	vld.idx.msk [tilespmem:v36+s10+$0x0], $0xffff;
	v16 =	vmin.u32 v1, v16  }
0x1f8: {  	v36 =	vmax.f32 v4, v19;
	v1 =	vld.idx.msk [tilespmem:v12+s10+$0x0], $0xffff;
	v12 =	vmax.f32 v14, v37;
	v9 =	vmin.u32 v16, v39  }
0x1f9: {  	v16 =	vmax.f32 v40, v46;
	v3 =	vmax.f32 v3, v12;
	v12 =	vmax.f32 v42, v36;
	v39 =	vld [tilespmem:$0x1FFC0]  }
0x1fa: {  	v5 =	vld.idx.msk [tilespmem:v5+s10+$0x0], $0xffff;
	v15 =	vmax.f32 v15, v16;
	v16 =	vmax.f32 v44, v47;
	v42 =	vmax.f32 v7, v8  }
0x1fb: {  	v45 =	vor.u32 s29, v27;
	v36 =	vor.u32 s29, v29;
	v16 =	vmax.f32 v16, v42  }
0x1fc: {  	v3 =	vmax.f32 v3, v15;
	v12 =	vmax.f32 v12, v16;
	v16 =	vnsel vm14, $0x100000, v63  }
0x1fd: {  	v15 =	vor.u32 s29, v30;
	v42 =	vmax.f32 v1, v10;
	v9 =	vmin.u32 v9, v16  }
0x1fe: {  	v16 =	vnsel vm2, $0x100000, v20;
	v3 =	vmax.f32 v3, v12;
	v34 =	vor.u32 s29, v39  }
0x1ff: {  	v39 =	vmax.f32 v38, v5;
	v9 =	vmin.u32 v9, v16;
	v16 =	vmax.f32 v13, v35  }
0x200: {  	vm5 =	veq.f32 v17, v3;
	v17 =	vor.u32 s29, v31;
	vm6 =	veq.f32 v2, v3  }
0x201: {  	vm3 =	veq.f32 v14, v3;
	v14 =	vor.u32 s29, v51;
	vm7 =	veq.f32 v37, v3  }
0x202: {  	vm8 =	veq.f32 v18, v3;
	v18 =	vor.u32 s29, v53;
	vm9 =	veq.f32 v11, v3  }
0x203: {  	v11 =	vnsel vm15, $0x100000, v50;
	vm10 =	veq.f32 v40, v3;
	vm11 =	veq.f32 v46, v3  }
0x204: {  	s30 =	simm.s32 $0x1400;
	vm12 =	veq.f32 v41, v3;
	vm13 =	veq.f32 v43, v3;
	vm14 =	veq.f32 v4, v3  }
0x205: {  	vm15 =	veq.f32 v19, v3;
	vm4 =	veq.f32 v44, v3;
	v43 =	vor.u32 s30, v26  }
0x206: {  	v12 =	vmax.f32 v42, v16;
	v16 =	vor.u32 s29, v32;
	v0 =	vnsel vm5, $0x100000, v48  }
0x207: {  	v37 =	vld.idx.msk [tilespmem:v45+s10+$0x0], $0xffff;
	v42 =	vnsel vm3, $0x100000, v49;
	v45 =	vnsel vm9, $0x100000, v56;
	v40 =	vnsel vm11, $0x100000, v58  }
0x208: {  	v6 =	vld.idx.msk [tilespmem:v6+s10+$0x0], $0xffff;
	v41 =	vnsel vm12, $0x100000, v59;
	v9 =	vmin.u32 v9, v11;
	v2 =	vmin.u32 v0, v33  }
0x209: {  	v15 =	vld.idx.msk [tilespmem:v15+s10+$0x0], $0xffff;
	v46 =	vnsel vm4, $0x100000, v63;
	vm5 =	veq.f32 v47, v3;
	v0 =	vsel vm6, v2, v0  }
0x20a: {  	v47 =	vor.u32 s30, v21;
	v33 =	vnsel vm7, $0x100000, v54;
	v0 =	vmin.u32 v0, v42;
	v19 =	vld.idx.msk [tilespmem:v34+s10+$0x0], $0xffff  }
0x20b: {  	v2 =	vor.u32 s29, v52;
	v42 =	vnsel vm8, $0x100000, v55;
	v0 =	vmin.u32 v0, v33;
	v17 =	vld.idx.msk [tilespmem:v17+s10+$0x0], $0xffff  }
0x20c: {  	vm7 =	veq.f32 v8, v3;
	vm6 =	veq.f32 v7, v3;
	v0 =	vmin.u32 v0, v42;
	v42 =	vld.idx.msk [tilespmem:v36+s10+$0x0], $0xffff  }
0x20d: {  	v34 =	vor.u32 s30, v25;
	v33 =	vnsel vm10, $0x100000, v57;
	v4 =	vld.idx.msk [tilespmem:v16+s10+$0x0], $0xffff;
	[tilespmem:$0x1FDE0] =	vst v9;
	v0 =	vmin.u32 v0, v45  }
0x20e: {  	v7 =	vor.u32 s30, v22;
	v3 =	vor.u32 s30, v24;
	v9 =	vld.idx.msk [tilespmem:v14+s10+$0x0], $0xffff;
	v0 =	vmin.u32 v0, v33  }
0x20f: {  	v16 =	vnsel vm14, $0x100000, v61;
	v36 =	vmax.f32 v37, v6;
	v14 =	vld.idx.msk [tilespmem:v18+s10+$0x0], $0xffff;
	v0 =	vmin.u32 v0, v40  }
0x210: {  	v45 =	vnsel vm13, $0x100000, v60;
	v18 =	vor.u32 s30, v23;
	v2 =	vld.idx.msk [tilespmem:v2+s10+$0x0], $0xffff;
	v0 =	vmin.u32 v0, v41  }
0x211: {  	v8 =	vmax.f32 v39, v36;
	v39 =	vor.u32 s30, v27;
	v0 =	vmin.u32 v0, v45  }
0x212: {  	v8 =	vmax.f32 v12, v8;
	v12 =	vld.idx.msk [tilespmem:v34+s10+$0x0], $0xffff;
	v0 =	vmin.u32 v0, v16;
	v16 =	vnsel vm15, $0x100000, v62  }
0x213: {  	v33 =	vmovc v20;
	v34 =	vor.u32 s30, v30;
	v0 =	vmin.u32 v0, v16;
	v16 =	vnsel vm5, $0x100000, v20;
	v20 =	vld [tilespmem:$0x1FFB0]  }
0x214: {  	v40 =	vmax.f32 v17, v4;
	v41 =	vmax.f32 v19, v9;
	v0 =	vmin.u32 v0, v46  }
0x215: {  	v0 =	vmin.u32 v0, v16;
	v16 =	vnsel vm6, $0x100000, v50;
	v50 =	vmax.f32 v2, v14  }
0x216: {  	v11 =	vld.idx.msk [tilespmem:v47+s10+$0x0], $0xffff;
	v0 =	vmin.u32 v0, v16;
	v16 =	vmax.f32 v42, v15;
	v47 =	vmax.f32 v41, v50  }
0x217: {  	v50 =	vor.u32 s30, v28;
	v16 =	vmax.f32 v16, v40;
	v40 =	vld.idx.msk [tilespmem:v39+s10+$0x0], $0xffff;
	v39 =	vor.u32 s30, v32  }
0x218: {  	v45 =	vmax.f32 v16, v47;
	v16 =	vor.u32 s30, v29;
	v46 =	vnsel vm7, $0x100000, v20  }
0x219: {  	v7 =	vld.idx.msk [tilespmem:v7+s10+$0x0], $0xffff;
	v8 =	vmax.f32 v8, v45;
	v36 =	vmin.u32 v0, v46;
	v45 =	vlaneseq.u32  }
0x21a: {  	v47 =	vld [tilespmem:$0x1FFC0];
	vm8 =	veq.f32 v10, v8;
	v10 =	vor.u32 s30, v31;
	vm9 =	veq.f32 v1, v8  }
0x21b: {  	vm10 =	veq.f32 v13, v8;
	vm11 =	veq.f32 v35, v8;
	v35 =	vld.idx.msk [tilespmem:v34+s10+$0x0], $0xffff;
	v34 =	vor.u32 s30, v52  }
0x21c: {  	vm12 =	veq.f32 v38, v8;
	v38 =	vor.u32 s30, v53;
	vm13 =	veq.f32 v5, v8  }
0x21d: {  	v3 =	vld.idx.msk [tilespmem:v3+s10+$0x0], $0xffff;
	vm14 =	veq.f32 v37, v8;
	vm15 =	veq.f32 v6, v8;
	vm4 =	veq.f32 v42, v8  }
0x21e: {  	v18 =	vld.idx.msk [tilespmem:v18+s10+$0x0], $0xffff;
	vm5 =	veq.f32 v15, v8;
	vm6 =	veq.f32 v17, v8;
	vm7 =	veq.f32 v4, v8  }
0x21f: {  	s31 =	simm.s32 $0x1500;
	v0 =	vld.idx.msk [tilespmem:v43+s10+$0x0], $0xffff;
	v4 =	vmax.f32 v11, v7;
	vm2 =	veq.f32 v2, v8;
	v1 =	vnsel vm8, $0x100000, v48  }
0x220: {  	v52 =	vor.u32 s31, v52;
	v43 =	vld.idx.msk [tilespmem:v50+s10+$0x0], $0xffff;
	v13 =	vmin.u32 v1, v45;
	v41 =	vor.u32 s30, v47  }
0x221: {  	v53 =	vor.u32 s31, v53;
	v1 =	vsel vm9, v13, v1;
	v13 =	vld.idx.msk [tilespmem:v16+s10+$0x0], $0xffff;
	v16 =	vor.u32 s30, v51  }
0x222: {  	v50 =	vnsel vm10, $0x100000, v49;
	v46 =	vnsel vm13, $0x100000, v56;
	v37 =	vnsel vm15, $0x100000, v58;
	v44 =	vld.idx.msk [tilespmem:v39+s10+$0x0], $0xffff  }
0x223: {  	v15 =	vnsel vm5, $0x100000, v60;
	v1 =	vmin.u32 v1, v50;
	v50 =	vnsel vm11, $0x100000, v54;
	v10 =	vld.idx.msk [tilespmem:v10+s10+$0x0], $0xffff  }
0x224: {  	vm8 =	veq.f32 v19, v8;
	v1 =	vmin.u32 v1, v50;
	v50 =	vnsel vm12, $0x100000, v55;
	v5 =	vld.idx.msk [tilespmem:v38+s10+$0x0], $0xffff  }
0x225: {  	vm10 =	veq.f32 v9, v8;
	v47 =	vnsel vm14, $0x100000, v57;
	v1 =	vmin.u32 v1, v50;
	v50 =	vld.idx.msk [tilespmem:v41+s10+$0x0], $0xffff  }
0x226: {  	v17 =	vmax.f32 v12, v0;
	v19 =	vmax.f32 v40, v43;
	v1 =	vmin.u32 v1, v46;
	v6 =	vld.idx.msk [tilespmem:v16+s10+$0x0], $0xffff  }
0x227: {  	v39 =	vnsel vm4, $0x100000, v59;
	v17 =	vmax.f32 v17, v19;
	v1 =	vmin.u32 v1, v47;
	v16 =	vld.idx.msk [tilespmem:v34+s10+$0x0], $0xffff  }
0x228: {  	v41 =	vmax.f32 v18, v3;
	v42 =	vmax.f32 v13, v35;
	v1 =	vmin.u32 v1, v37  }
0x229: {  	v4 =	vmax.f32 v4, v41;
	v1 =	vmin.u32 v1, v39;
	v46 =	vmax.f32 v10, v44  }
0x22a: {  	v4 =	vmax.f32 v4, v17;
	v17 =	vor.u32 s31, v21;
	v1 =	vmin.u32 v1, v15  }
0x22b: {  	v19 =	vmax.f32 v42, v46;
	v42 =	vnsel vm6, $0x100000, v61;
	v46 =	vnsel vm7, $0x100000, v62  }
0x22c: {  	v1 =	vmin.u32 v1, v42;
	v47 =	vmax.f32 v50, v6;
	v41 =	vmax.f32 v16, v5  }
0x22d: {  	v2 =	vnsel vm8, $0x100000, v63;
	v1 =	vmin.u32 v1, v46;
	v15 =	vmax.f32 v47, v41  }
0x22e: {  	v47 =	vor.u32 s31, v23;
	v23 =	vor.u32 s31, v25;
	v25 =	vor.u32 s31, v27  }
0x22f: {  	v1 =	vmin.u32 v1, v2;
	v2 =	vnsel vm10, $0x100000, v33;
	v15 =	vmax.f32 v19, v15  }
0x230: {  	v19 =	vor.u32 s31, v22;
	v1 =	vmin.u32 v1, v2;
	v4 =	vmax.f32 v4, v15  }
0x231: {  	v34 =	vld.idx.msk [tilespmem:v17+s10+$0x0], $0xffff;
	vm9 =	veq.f32 v7, v4;
	vm11 =	veq.f32 v11, v4;
	vm12 =	veq.f32 v18, v4  }
0x232: {  	vm14 =	veq.f32 v12, v4;
	v2 =	vnsel vm12, $0x100000, v49;
	vm12 =	veq.f32 v50, v4;
	v50 =	vld.idx.msk [tilespmem:v52+s10+$0x0], $0xffff  }
0x233: {  	v18 =	vor.u32 s31, v28;
	vm13 =	veq.f32 v3, v4;
	v28 =	vnsel vm14, $0x100000, v55;
	v55 =	vld [tilespmem:$0x1FFA0]  }
0x234: {  	vm15 =	veq.f32 v0, v4;
	v48 =	vnsel vm9, $0x100000, v48;
	vm9 =	veq.f32 v35, v4;
	v35 =	vld.idx.msk [tilespmem:v53+s10+$0x0], $0xffff  }
0x235: {  	v3 =	vor.u32 s31, v29;
	v29 =	vnsel vm15, $0x100000, v56;
	v56 =	vld [tilespmem:$0x1FDD0];
	v21 =	vmin.u32 v48, v45  }
0x236: {  	v27 =	vor.u32 s31, v30;
	v9 =	vsel vm11, v21, v48;
	v48 =	vld.idx.msk [tilespmem:v19+s10+$0x0], $0xffff  }
0x237: {  	v30 =	vor.u32 s31, v32;
	v19 =	vld [tilespmem:$0x1FFC0]  }
0x238: {  	v49 =	vld.idx.msk [tilespmem:v47+s10+$0x0], $0xffff  }
0x239: {  	v51 =	vor.u32 s31, v51;
	v39 =	vld.idx.msk [tilespmem:v23+s10+$0x0], $0xffff  }
0x23a: {  	v22 =	vor.u32 s31, v24;
	v0 =	vor.u32 s31, v31;
	v37 =	vld.idx.msk [tilespmem:v25+s10+$0x0], $0xffff  }
0x23b: {  	v24 =	vor.u32 s31, v26;
	v26 =	vnsel vm13, $0x100000, v54;
	v38 =	vld.idx.msk [tilespmem:v27+s10+$0x0], $0xffff;
	v2 =	vmin.u32 v9, v2  }
0x23c: {  	vm7 =	veq.f32 v43, v4;
	v42 =	vld.idx.msk [tilespmem:v30+s10+$0x0], $0xffff;
	v2 =	vmin.u32 v2, v26;
	v32 =	vor.u32 s31, v19  }
0x23d: {  	vm6 =	veq.f32 v40, v4;
	v47 =	vnsel vm7, $0x100000, v58;
	v58 =	vld.idx.msk [tilespmem:v36+s16+$0x0], $0xffff;
	v2 =	vmin.u32 v2, v28  }
0x23e: {  	v31 =	vnsel vm6, $0x100000, v57;
	vm11 =	veq.f32 v44, v4;
	v44 =	vld.idx.msk [tilespmem:v51+s10+$0x0], $0xffff;
	v2 =	vmin.u32 v2, v29  }
0x23f: {  	vm8 =	veq.f32 v13, v4;
	v46 =	vld.idx.msk [tilespmem:v0+s10+$0x0], $0xffff;
	v2 =	vmin.u32 v2, v31  }
0x240: {  	v43 =	vld.idx.msk [tilespmem:v3+s10+$0x0], $0xffff;
	v3 =	vnsel vm8, $0x100000, v59;
	v2 =	vmin.u32 v2, v47  }
0x241: {  	vm10 =	veq.f32 v10, v4;
	v2 =	vmin.u32 v2, v3;
	v3 =	vnsel vm9, $0x100000, v60;
	v47 =	vld.idx.msk [tilespmem:v32+s10+$0x0], $0xffff  }
0x242: {  	vm1 =	veq.f32 v14, v8;
	v7 =	vld.idx.msk [tilespmem:v56+s16+$0x0], $0xffff;
	v0 =	vmin.u32 v2, v3;
	v2 =	vnsel vm10, $0x100000, v61  }
0x243: {  	vm13 =	veq.f32 v6, v4;
	v45 =	vld.idx.msk [tilespmem:v22+s10+$0x0], $0xffff;
	v0 =	vmin.u32 v0, v2;
	v2 =	vnsel vm11, $0x100000, v62  }
0x244: {  	v41 =	vld.idx.msk [tilespmem:v24+s10+$0x0], $0xffff;
	v61 =	vmax.f32 v46, v42;
	v0 =	vmin.u32 v0, v2;
	v2 =	vnsel vm12, $0x100000, v63  }
0x245: {  	s24 =	simm.s32 $0x22B0;
	v40 =	vld.idx.msk [tilespmem:v18+s10+$0x0], $0xffff;
	v63 =	vmax.f32 v50, v35;
	v0 =	vmin.u32 v0, v2;
	v2 =	vnsel vm2, $0x100000, v55  }
0x246: {  	s23 =	simm.s32 $0x2290;
	[tilespmem:s24+$0xFFFFFFF0] =	vst v58;
	v52 =	vmin.u32 v1, v2;
	v2 =	vmax.f32 v43, v38;
	v62 =	vmax.f32 v47, v44  }
0x247: {  	vm15 =	veq.f32 v5, v4;
	[tilespmem:s23+$0xFFFFFFF0] =	vst v7;
	v2 =	vmax.f32 v2, v61;
	v5 =	vmax.f32 v62, v63  }
0x248: {  	vm14 =	veq.f32 v16, v4;
	v6 =	vnsel vm13, $0x100000, v33;
	v62 =	vmax.f32 v2, v5;
	v2 =	vld [tilespmem:$0x1FDE0]  }
0x249: {  	v57 =	vnsel vm14, $0x100000, v55;
	v54 =	vmax.f32 v49, v45;
	v59 =	vmax.f32 v39, v41  }
0x24a: {  	v60 =	vnsel vm15, $0x100000, v20;
	v3 =	vmax.f32 v34, v48;
	v1 =	vmax.f32 v37, v40  }
0x24b: {  	v3 =	vmax.f32 v3, v54;
	v0 =	vmin.u32 v0, v6;
	v1 =	vmax.f32 v59, v1  }
0x24c: {  	v0 =	vmin.u32 v0, v57;
	v61 =	vmax.f32 v3, v1;
	v1 =	vnsel vm0, $0x100000, v20  }
0x24d: {  	s28 =	simm.s32 $0x1700;
	s25 =	simm.s32 $0x22B0;
	s26 =	simm.s32 $0x14;
	v36 =	vnsel vm1, $0x100000, v20;
	v0 =	vmin.u32 v0, v60;
	v2 =	vmin.u32 v2, v1  }
.LBB2_4:
0x24e: {  	v1 =	vld [tilespmem:$0x1FE10]  }
0x24f: {  	v9 =	vld [tilespmem:$0x1FE20]  }
0x250: {  	v11 =	vld [tilespmem:$0x1FE30]  }
0x251: {  	v12 =	vld [tilespmem:$0x1FE40]  }
0x252: {  	v13 =	vld [tilespmem:$0x1FE50]  }
0x253: {  	v0 =	vld.idx.msk [tilespmem:v0+s16+$0x0], $0xffff  }
0x254: {  	v15 =	vld [tilespmem:$0x1FE60]  }
0x255: {  	v14 =	vld [tilespmem:$0x1FE70]  }
0x256: {  	v16 =	vld [tilespmem:$0x1FE80]  }
0x257: {  	v20 =	vld [tilespmem:$0x1FE90]  }
0x258: {  	v21 =	vld [tilespmem:$0x1FEA0]  }
0x259: {  	v17 =	vld [tilespmem:$0x1FEB0]  }
0x25a: {  	v2 =	vld.idx.msk [tilespmem:v2+s16+$0x0], $0xffff  }
0x25b: {  	v32 =	vld [tilespmem:$0x1FEC0]  }
0x25c: {  	v22 =	vld [tilespmem:$0x1FFD0]  }
0x25d: {  	v23 =	vld [tilespmem:$0x1FFE0]  }
0x25e: {  	v31 =	vld [tilespmem:$0x1FED0]  }
0x25f: {  	s29 =	sadd.s32 $0xFFFFFF00, s28;
	v33 =	vld [tilespmem:$0x1FEE0];
	v3 =	vor.u32 s28, v1  }
0x260: {  	v24 =	vld [tilespmem:$0x1FF10];
	v4 =	vor.u32 s28, v9;
	v6 =	vor.u32 s29, v1  }
0x261: {  	v51 =	vld [tilespmem:$0x1FFA0];
	v5 =	vor.u32 s28, v11;
	v9 =	vor.u32 s29, v9;
	v11 =	vor.u32 s29, v11  }
0x262: {  	v58 =	vor.u32 s28, v21;
	v25 =	vor.u32 s28, v23;
	v28 =	vor.u32 s29, v21;
	v21 =	vld [tilespmem:$0x1FEF0]  }
0x263: {  	v7 =	vor.u32 s28, v12;
	v12 =	vor.u32 s29, v12;
	[tilespmem:$0x1FDB0] =	vst v25;
	v25 =	vld [tilespmem:$0x1FFF0]  }
0x264: {  	v8 =	vor.u32 s28, v13;
	v13 =	vor.u32 s29, v13;
	v3 =	vld.idx.msk [tilespmem:v3+s10+$0x0], $0xffff  }
0x265: {  	s24 =	sadd.s32 $0x20, s24;
	v1 =	vor.u32 s28, v14;
	v14 =	vor.u32 s29, v14;
	v55 =	vld.idx.msk [tilespmem:v6+s10+$0x0], $0xffff  }
0x266: {  	v27 =	vor.u32 s29, v20;
	v9 =	vld.idx.msk [tilespmem:v9+s10+$0x0], $0xffff;
	[tilespmem:s24+$0xFFFFFFF0] =	vst v0  }
0x267: {  	v10 =	vor.u32 s28, v15;
	v6 =	vor.u32 s29, v15;
	v15 =	vmax.f32 v61, v62;
	v61 =	vld.idx.msk [tilespmem:v11+s10+$0x0], $0xffff  }
0x268: {  	v62 =	vld.idx.msk [tilespmem:v12+s10+$0x0], $0xffff  }
0x269: {  	v63 =	vld.idx.msk [tilespmem:v13+s10+$0x0], $0xffff  }
0x26a: {  	[tilespmem:s23+$0x0] =	vst v2;
	v2 =	vld.idx.msk [tilespmem:v14+s10+$0x0], $0xffff  }
0x26b: {  	v12 =	vld.idx.msk [tilespmem:v27+s10+$0x0], $0xffff  }
0x26c: {  	v13 =	vld.idx.msk [tilespmem:v28+s10+$0x0], $0xffff  }
0x26d: {  	v54 =	vor.u32 s28, v19;
	v59 =	vor.u32 s28, v20;
	v20 =	vmov v17;
	v27 =	vld [tilespmem:$0x1FF40]  }
0x26e: {  	v60 =	vor.u32 s28, v16;
	v56 =	vor.u32 s28, v17;
	v29 =	vor.u32 s29, v20;
	v28 =	vld [tilespmem:$0x1FF60]  }
0x26f: {  	v0 =	vlaneseq.u32;
	v26 =	vor.u32 s28, v25;
	vm1 =	veq.f32 v48, v15;
	v48 =	vld.idx.msk [tilespmem:v4+s10+$0x0], $0xffff  }
0x270: {  	v11 =	vor.u32 s29, v16;
	vm14 =	veq.f32 v39, v15;
	v39 =	vld.idx.msk [tilespmem:v8+s10+$0x0], $0xffff;
	v16 =	vnsel vm1, $0x100000, v31  }
0x271: {  	vm0 =	veq.f32 v34, v15;
	vm12 =	veq.f32 v49, v15;
	[tilespmem:$0x1FDC0] =	vst v26;
	v26 =	vld [tilespmem:$0x1FF50];
	v17 =	vmin.u32 v16, v0  }
0x272: {  	v16 =	vsel vm0, v17, v16;
	v17 =	vor.u32 s29, v19;
	v19 =	vor.u32 s29, v23;
	v23 =	vld [tilespmem:$0x1FF20]  }
0x273: {  	vm13 =	veq.f32 v45, v15;
	v18 =	vnsel vm12, $0x100000, v33;
	v0 =	vld.idx.msk [tilespmem:v6+s10+$0x0], $0xffff  }
0x274: {  	v30 =	vmin.u32 v16, v18;
	v16 =	vnsel vm13, $0x100000, v21;
	v6 =	vld.idx.msk [tilespmem:v29+s10+$0x0], $0xffff  }
0x275: {  	v53 =	vor.u32 s28, v22;
	v14 =	vmin.u32 v30, v16;
	v16 =	vor.u32 s29, v22;
	v22 =	vld [tilespmem:$0x1FF00]  }
0x276: {  	v57 =	vor.u32 s28, v32;
	v34 =	vmovc v3;
	v3 =	vor.u32 s29, v32;
	v32 =	vor.u32 s29, v25;
	v25 =	vld [tilespmem:$0x1FF30]  }
0x277: {  	vm15 =	veq.f32 v41, v15;
	vm4 =	veq.f32 v37, v15;
	v29 =	vld [tilespmem:$0x1FF70]  }
0x278: {  	vm5 =	veq.f32 v40, v15;
	vm6 =	veq.f32 v43, v15;
	vm7 =	veq.f32 v38, v15;
	v11 =	vld.idx.msk [tilespmem:v11+s10+$0x0], $0xffff  }
0x279: {  	vm8 =	veq.f32 v46, v15;
	vm9 =	veq.f32 v42, v15;
	vm10 =	veq.f32 v47, v15;
	v30 =	vld [tilespmem:$0x1FF80]  }
0x27a: {  	vm11 =	veq.f32 v44, v15;
	vm12 =	veq.f32 v50, v15;
	v17 =	vld.idx.msk [tilespmem:v17+s10+$0x0], $0xffff;
	v18 =	vnsel vm14, $0x100000, v22  }
0x27b: {  	vm0 =	veq.f32 v35, v15;
	v3 =	vld.idx.msk [tilespmem:v3+s10+$0x0], $0xffff;
	v14 =	vmin.u32 v14, v18;
	v18 =	vnsel vm15, $0x100000, v24  }
0x27c: {  	v41 =	vnsel vm8, $0x100000, v28;
	v20 =	vld.idx.msk [tilespmem:v32+s10+$0x0], $0xffff;
	v14 =	vmin.u32 v14, v18;
	v18 =	vnsel vm4, $0x100000, v25  }
0x27d: {  	v46 =	vmax.f32 v12, v13;
	v16 =	vld.idx.msk [tilespmem:v16+s10+$0x0], $0xffff;
	v14 =	vmin.u32 v14, v18;
	v18 =	vnsel vm5, $0x100000, v27  }
0x27e: {  	v40 =	vnsel vm6, $0x100000, v23;
	v38 =	vmax.f32 v63, v0;
	v14 =	vmin.u32 v14, v18;
	v18 =	vld.idx.msk [tilespmem:v19+s10+$0x0], $0xffff  }
0x27f: {  	v37 =	vld.idx.msk [tilespmem:v1+s10+$0x0], $0xffff;
	v8 =	vmax.f32 v2, v11;
	v19 =	vnsel vm7, $0x100000, v26;
	v14 =	vmin.u32 v14, v40  }
0x280: {  	v45 =	vnsel vm9, $0x100000, v29;
	v32 =	vld [tilespmem:$0x1FF90];
	v1 =	vmax.f32 v38, v8;
	v14 =	vmin.u32 v14, v19  }
0x281: {  	v49 =	vld.idx.msk [tilespmem:v5+s10+$0x0], $0xffff;
	v47 =	vmax.f32 v6, v3;
	v19 =	vnsel vm10, $0x100000, v30;
	v43 =	vmin.u32 v14, v41  }
0x282: {  	v14 =	vmax.f32 v55, v9;
	v41 =	vld.idx.msk [tilespmem:v10+s10+$0x0], $0xffff;
	v10 =	vmax.f32 v17, v16;
	v4 =	vmin.u32 v43, v45  }
0x283: {  	v45 =	vld.idx.msk [tilespmem:v7+s10+$0x0], $0xffff;
	v4 =	vmin.u32 v4, v19;
	v19 =	vmax.f32 v61, v62;
	v50 =	vmax.f32 v18, v20  }
0x284: {  	v8 =	vmax.f32 v46, v47;
	v14 =	vmax.f32 v14, v19;
	v10 =	vmax.f32 v10, v50  }
0x285: {  	v5 =	vnsel vm11, $0x100000, v32;
	v1 =	vmax.f32 v14, v1;
	v8 =	vmax.f32 v8, v10  }
0x286: {  	v7 =	vnsel vm12, $0x100000, v51;
	v43 =	vld.idx.msk [tilespmem:v59+s10+$0x0], $0xffff;
	v59 =	vlaneseq.u32;
	v1 =	vmax.f32 v1, v8  }
0x287: {  	v4 =	vmin.u32 v4, v5;
	v10 =	vmax.f32 v34, v48;
	vm5 =	veq.f32 v0, v1;
	v0 =	vld [tilespmem:$0x1FDC0]  }
0x288: {  	v42 =	vld.idx.msk [tilespmem:v57+s10+$0x0], $0xffff;
	v4 =	vmin.u32 v4, v7;
	v8 =	vmax.f32 v49, v45;
	vm13 =	veq.f32 v9, v1  }
0x289: {  	v44 =	vld.idx.msk [tilespmem:v53+s10+$0x0], $0xffff;
	v9 =	vmax.f32 v39, v41;
	vm14 =	veq.f32 v55, v1;
	vm2 =	veq.f32 v61, v1  }
0x28a: {  	v38 =	vld.idx.msk [tilespmem:v58+s10+$0x0], $0xffff;
	vm15 =	veq.f32 v62, v1;
	v58 =	vmax.f32 v10, v8;
	v8 =	vnsel vm13, $0x100000, v31  }
0x28b: {  	v40 =	vld.idx.msk [tilespmem:v60+s10+$0x0], $0xffff;
	vm4 =	veq.f32 v63, v1;
	vm6 =	veq.f32 v2, v1;
	v7 =	vmin.u32 v8, v59  }
0x28c: {  	v60 =	vld [tilespmem:$0x1FDB0];
	vm7 =	veq.f32 v11, v1;
	v7 =	vsel vm14, v7, v8;
	v8 =	vnsel vm2, $0x100000, v33  }
0x28d: {  	v46 =	vld.idx.msk [tilespmem:v56+s10+$0x0], $0xffff;
	vm8 =	veq.f32 v12, v1;
	v7 =	vmin.u32 v7, v8;
	v8 =	vnsel vm15, $0x100000, v21  }
0x28e: {  	v47 =	vld.idx.msk [tilespmem:v54+s10+$0x0], $0xffff;
	vm9 =	veq.f32 v13, v1;
	v7 =	vmin.u32 v7, v8;
	v8 =	vnsel vm4, $0x100000, v22  }
0x28f: {  	vm10 =	veq.f32 v6, v1;
	v61 =	vnsel vm5, $0x100000, v24;
	v35 =	vld.idx.msk [tilespmem:v0+s10+$0x0], $0xffff;
	v0 =	vmin.u32 v7, v8  }
0x290: {  	vm11 =	veq.f32 v3, v1;
	v2 =	vnsel vm6, $0x100000, v25;
	v0 =	vmin.u32 v0, v61  }
0x291: {  	vm12 =	veq.f32 v17, v1;
	v0 =	vmin.u32 v0, v2;
	v2 =	vnsel vm7, $0x100000, v27  }
0x292: {  	v3 =	vmax.f32 v46, v42;
	v0 =	vmin.u32 v0, v2;
	v2 =	vnsel vm8, $0x100000, v23  }
0x293: {  	v62 =	vmax.f32 v47, v44;
	v8 =	vld [tilespmem:$0x1FFB0];
	v0 =	vmin.u32 v0, v2;
	v2 =	vnsel vm9, $0x100000, v26  }
0x294: {  	v50 =	vld.idx.msk [tilespmem:v60+s10+$0x0], $0xffff;
	v10 =	vlaneseq.u32;
	v0 =	vmin.u32 v0, v2;
	v2 =	vnsel vm10, $0x100000, v28  }
0x295: {  	vm13 =	veq.f32 v16, v1;
	v0 =	vmin.u32 v0, v2;
	v2 =	vnsel vm11, $0x100000, v29  }
0x296: {  	s26 =	sadd.s32 $0x2, s26;
	vm14 =	veq.f32 v18, v1;
	v0 =	vmin.u32 v0, v2;
	v2 =	vnsel vm12, $0x100000, v30  }
0x297: {  	p0 =	slt.u32 s26, $0x1E;
	vm15 =	veq.f32 v20, v1;
	v0 =	vmin.u32 v0, v2;
	v2 =	vnsel vm13, $0x100000, v32  }
.Ltmp1:
0x298: {  	v1 =	vnsel vm15, $0x100000, v8;
	v0 =	vmin.u32 v0, v2;
	v2 =	vnsel vm14, $0x100000, v51;
	(pc) =	sbr.rel @p0 .LBB2_4-.Ltmp1, $4  }
0x299: {  	v63 =	vmax.f32 v50, v35;
	v0 =	vmin.u32 v0, v2;
	v2 =	vmax.f32 v37, v40  }
0x29a: {  	v0 =	vmin.u32 v0, v1;
	v1 =	vmax.f32 v43, v38;
	v2 =	vmax.f32 v9, v2  }
0x29b: {  	v1 =	vmax.f32 v1, v3;
	v3 =	vmax.f32 v62, v63;
	v61 =	vmax.f32 v58, v2  }
0x29c: {  	s23 =	smov.u32 s25;
	s25 =	smov.u32 s24;
	s28 =	sadd.s32 $0x200, s28;
	v19 =	vld [tilespmem:$0x1FFC0];
	v2 =	vmin.u32 v52, v36;
	v36 =	vnsel vm0, $0x100000, v8;
	v52 =	vmovc v4;
	v62 =	vmax.f32 v1, v3  }
0x29d: {  	v3 =	vld [tilespmem:$0x1FED0];
	_ =	sdelay $0x1  }
0x29e: {  	v1 =	vmax.f32 v61, v62;
	v5 =	vld [tilespmem:$0x1FEE0]  }
0x29f: {  	vm14 =	veq.f32 v34, v1;
	v34 =	vld [tilespmem:$0x1FEF0]  }
0x2a0: {  	vm0 =	veq.f32 v48, v1;
	vm15 =	veq.f32 v45, v1;
	v45 =	vld [tilespmem:$0x1FF00]  }
0x2a1: {  	v48 =	vld [tilespmem:$0x1FF10];
	v3 =	vnsel vm0, $0x100000, v3  }
0x2a2: {  	vm1 =	veq.f32 v49, v1;
	v49 =	vld [tilespmem:$0x1FF30];
	v4 =	vmin.u32 v3, v10  }
0x2a3: {  	v51 =	vld [tilespmem:$0x1FF40];
	v5 =	vnsel vm1, $0x100000, v5;
	v3 =	vsel vm14, v4, v3  }
0x2a4: {  	v53 =	vld [tilespmem:$0x1FF20];
	vm4 =	veq.f32 v39, v1;
	v4 =	vnsel vm15, $0x100000, v34;
	v3 =	vmin.u32 v3, v5  }
0x2a5: {  	v54 =	vld [tilespmem:$0x1FF50];
	vm5 =	veq.f32 v41, v1;
	v3 =	vmin.u32 v3, v4;
	v4 =	vnsel vm4, $0x100000, v45  }
0x2a6: {  	v55 =	vld [tilespmem:$0x1FF60];
	vm6 =	veq.f32 v37, v1;
	v3 =	vmin.u32 v3, v4;
	v4 =	vnsel vm5, $0x100000, v48  }
0x2a7: {  	v56 =	vld [tilespmem:$0x1FF70];
	vm7 =	veq.f32 v40, v1;
	v3 =	vmin.u32 v3, v4;
	v4 =	vnsel vm6, $0x100000, v49  }
0x2a8: {  	v57 =	vld [tilespmem:$0x1FF80];
	vm8 =	veq.f32 v43, v1;
	v3 =	vmin.u32 v3, v4;
	v4 =	vnsel vm7, $0x100000, v51  }
0x2a9: {  	v58 =	vld [tilespmem:$0x1FF90];
	vm9 =	veq.f32 v38, v1;
	v5 =	vnsel vm8, $0x100000, v53;
	v3 =	vmin.u32 v3, v4  }
0x2aa: {  	v59 =	vld [tilespmem:$0x1FFA0];
	vm10 =	veq.f32 v46, v1;
	v4 =	vnsel vm9, $0x100000, v54;
	v3 =	vmin.u32 v3, v5  }
0x2ab: {  	v61 =	vld [tilespmem:$0x1FFB0];
	vm11 =	veq.f32 v42, v1;
	v5 =	vnsel vm10, $0x100000, v55;
	v3 =	vmin.u32 v3, v4  }
0x2ac: {  	vm12 =	veq.f32 v47, v1;
	v4 =	vnsel vm11, $0x100000, v56;
	v3 =	vmin.u32 v3, v5  }
0x2ad: {  	vm13 =	veq.f32 v44, v1;
	v5 =	vnsel vm12, $0x100000, v57;
	v3 =	vmin.u32 v3, v4  }
0x2ae: {  	vm14 =	veq.f32 v50, v1;
	v4 =	vnsel vm13, $0x100000, v58;
	v3 =	vmin.u32 v3, v5  }
0x2af: {  	vm15 =	veq.f32 v35, v1;
	v5 =	vnsel vm14, $0x100000, v59;
	v3 =	vmin.u32 v3, v4  }
0x2b0: {  	v62 =	vmin.u32 v52, v36;
	v60 =	vmin.u32 v3, v5;
	v3 =	vnsel vm15, $0x100000, v61  }
0x2b1: {  	v1 =	vmin.u32 v60, v3;
	_ =	sdelay $0x1  }
0x2b2: {  	v0 =	vld.idx.msk [tilespmem:v0+s16+$0x0], $0xffff  }
0x2b3: {  	v2 =	vld.idx.msk [tilespmem:v2+s16+$0x0], $0xffff  }
0x2b4: {  	v63 =	vld.idx.msk [tilespmem:v62+s16+$0x0], $0xffff  }
0x2b5: {  	v1 =	vld.idx.msk [tilespmem:v1+s16+$0x0], $0xffff  }
0x2b6: {  	s24 =	sadd.s32 $0x20, s24  }
0x2b7: {  	[tilespmem:s24+$0xFFFFFFF0] =	vst v0  }
0x2b8: {  	[tilespmem:s23+$0x0] =	vst v2  }
0x2b9: {  	[tilespmem:s25+$0x0] =	vst v63  }
0x2ba: {  	[tilespmem:s24+$0x0] =	vst v1  }
0x2bb: {  	_ =	swait.ge [sflag:s19], $0x100  }
0x2bc: {  	s22 =	sadd.s32 $0x1, s22;
	[sflag:s19] =	ssyncset.done $0x0  }
0x2bd: {  	p0 =	sne.s32 s22, s9;
	[sflag:s19] =	ssyncadd.s32 $0xFFFFFF00  }
0x2be: {  	[hbm4b:s8+s4] =	stream.linear.scatter [tilespmem:s20], [sflag:$0x6], $0x100, $0x38;
	[tilespmem:$0x2380] =	vst v63  }
.Ltmp2:
0x2bf: {  	_ = 	snop;
	(pc) =	sbr.rel @p0 .LBB2_1-.Ltmp2, $4  }
0x2c0: {  	_ =	swait.ge [sflag:s21], $0x100  }
0x2c1: {  	v15 =	vld [tilespmem:$0x1FFD0]  }
0x2c2: {  	[sflag:s21] =	ssyncset.done $0x0;
	v16 =	vld [tilespmem:$0x1FFE0]  }
0x2c3: {  	v17 =	vld [tilespmem:$0x1FFF0];
	[sflag:s21] =	ssyncadd.s32 $0xFFFFFF00  }
0x2c4: {  	_ =	sfence.sel $0x180000  }
0x2c5: {  	[bflag:$0x0] =	sbarrier.arrive $0xFFFF  }
0x2c6: {  	p0 =	sne.s32 s3, $0x0;
	_ =	strace $0x90000047  }
0x2c7: {  	s0 =	sadd.s32 @!p0 $0x100000, s2;
	[bflag:$0x2] =	sbarrier.arrive $0xFFFF  }
0x2c8: {  	[sflag:s0] =	ssyncadd.tile.s32 @!p0 $0x1;
	_ =	shalt  }
.Lfunc_end2:
_tile_overlayer_lowered:
.L_overlay_start_2:
0x2c9: {  	(tag) =	ssettag $0x2  }
0x2ca: {  	s0 =	rddreg [dreg:$0x0];
	s2 =	stileid.u32  }
0x2cb: {  	s1 =	rddreg [dreg:$0x1];
	p0 =	sne.s32 s2, $0x0  }
0x2cc: {  	s3 =	rddreg [dreg:$0x2];
	[bflag:$0x3] =	sbarrier.arrive $0xFFFF;
	s2 =	simm.s32 @!p0 $0x1C06  }
0x2cd: {  	[timem:s3], [sflag:s2] =	dma.local @!p0 [hbm:s0], s1  }
0x2ce: {  	s0 =	simm.s32 @!p0 $0x6  }
0x2cf: {  	_ =	swait.ge @!p0 [sflag:s0], s1  }
0x2d0: {  	s1 =	ssub.s32 @!p0 $0x0, s1;
	[sflag:s0] =	ssyncset.done @!p0 $0x0  }
0x2d1: {  	[sflag:s0] =	ssyncadd.s32 @!p0 s1  }
0x2d2: {  	[bflag:$0x3] =	sbarrier.arrive $0xFFFF  }
0x2d3: {  	_ =	shalt  }

</sc_bundles>
